<compile_context>
chip_gen: v7x
topology: tpu7x:2x2x1
jax: 0.10.2.dev20260603
libtpu: 0.0.44.dev20260713+nightly
codegen_flags: <defaults>
</compile_context>

<pallas_src>
import jax
import jax.numpy as jnp
from jax import lax
from jax.experimental import pallas as pl
from jax.experimental.pallas import tpu as pltpu
from jax.experimental.pallas import tpu_sc as plsc

N = 10000
E = 160000
D = 256

NUM_CORES = 2
NUM_SUBCORES = 16
NW = NUM_CORES * NUM_SUBCORES
HALF_N = N // NUM_CORES
EPS = E // NUM_SUBCORES
PIECE = 2000
CHUNK = 64
KEPT_CAP = 10240
ACC_ROWS = 5120
DUMMY_LOCAL = HALF_N
DRAIN_ROWS = 312
DRAIN_TAIL = HALF_N - NUM_SUBCORES * DRAIN_ROWS
ZROWS = ACC_ROWS // NUM_SUBCORES


def _artanh(v):
    v = jnp.clip(v, -1.0 + 1e-5, 1.0 - 1e-5)
    return 0.5 * (jnp.log1p(v) - jnp.log1p(-v))


def _pre_body(x_ref, w_ref, b_ref, h_ref):
    x = x_ref[...]
    nrm = jnp.maximum(jnp.sqrt(jnp.sum(x * x, axis=1, keepdims=True)), 1e-15)
    h = x * (_artanh(nrm) / nrm)
    hw = lax.dot_general(h, w_ref[...], (((1,), (0,)), ((), ())),
                         preferred_element_type=jnp.float32)
    hw = hw + b_ref[...]
    h_ref[...] = hw.reshape(hw.shape[0], 2, D // 2)


def _post_body(a_ref, o_ref):
    a = a_ref[...]
    a = jnp.maximum(a.reshape(a.shape[0], D), 0.0)
    nrm = jnp.maximum(jnp.sqrt(jnp.sum(a * a, axis=1, keepdims=True)), 1e-15)
    o = jnp.tanh(nrm) * a / nrm
    o_ref[...] = jnp.maximum(o, 0.0)


def _part_body(pidx_hbm, kept_hbm, cnt_hbm, piece_v, kept_v, cnt_v, sem):
    c = lax.axis_index("c")
    s = lax.axis_index("s")
    w = c * NUM_SUBCORES + s

    lo = c * (HALF_N << 16)
    hi = lo + (HALF_N << 16)

    def scan_piece(p, n):
        pltpu.sync_copy(pidx_hbm.at[pl.ds(s * EPS + p * PIECE, PIECE)], piece_v)

        def scan_group(g, n):
            wd = piece_v[pl.ds(g * 16, 16)]
            m = (wd >= lo) & (wd < hi)
            plsc.store_compressed(kept_v.at[pl.ds(n, 16)], wd, mask=m)
            return n + jnp.max(plsc.all_reduce_population_count(m))

        return lax.fori_loop(0, PIECE // 16, scan_group, n)

    n = lax.fori_loop(0, EPS // PIECE, scan_piece, jnp.int32(0))

    dummy_w = jnp.zeros((16,), jnp.int32) + ((c * HALF_N + DUMMY_LOCAL) << 16)

    @pl.loop(0, 2 * CHUNK, step=16)
    def _(k):
        kept_v[pl.ds(n + k, 16)] = dummy_w

    cnt_v[...] = jnp.zeros((16,), jnp.int32) + n
    pltpu.sync_copy(kept_v, kept_hbm.at[pl.ds(w * KEPT_CAP, KEPT_CAP)])
    pltpu.sync_copy(cnt_v, cnt_hbm.at[pl.ds(w * 16, 16)])


def _agg_body(h_hbm, kept_hbm, cnt_hbm, out_hbm,
              kept_v, cnt_v, src_a, src_b, dst_a, dst_b, buf_a, buf_b,
              acc_sh, sem_a, sem_b):
    c = lax.axis_index("c")
    s = lax.axis_index("s")
    w = c * NUM_SUBCORES + s

    @pl.loop(0, CHUNK)
    def _(r):
        @pl.loop(0, D // 2, step=16)
        def _(col):
            buf_a[r, 0, pl.ds(col, 16)] = jnp.zeros((16,), jnp.float32)
            buf_a[r, 1, pl.ds(col, 16)] = jnp.zeros((16,), jnp.float32)

    @pl.loop(0, ZROWS // CHUNK)
    def _(k):
        pltpu.sync_copy(buf_a, acc_sh.at[pl.ds(s * ZROWS + k * CHUNK, CHUNK)])

    plsc.subcore_barrier()

    pltpu.sync_copy(kept_hbm.at[pl.ds(w * KEPT_CAP, KEPT_CAP)], kept_v)
    pltpu.sync_copy(cnt_hbm.at[pl.ds(w * 16, 16)], cnt_v)
    n = cnt_v[...][0]
    ncs = 2 * jnp.maximum((n + 2 * CHUNK - 1) // (2 * CHUNK), 1)

    base = c * HALF_N

    def unpack(t, src_st, dst_st):
        @pl.loop(0, CHUNK, step=16)
        def _(k):
            v = kept_v[pl.ds(t * CHUNK + k, 16)]
            src_st[pl.ds(k, 16)] = v & 0xFFFF
            dst_st[pl.ds(k, 16)] = (v >> 16) - base

    def fire(src_st, buf, sem):
        pltpu.async_copy(h_hbm.at[src_st], buf, sem)

    def wait(buf, sem):
        pltpu.make_async_copy(h_hbm.at[src_a], buf, sem).wait()

    def scat(buf, dst_st):
        pltpu.sync_copy(buf, acc_sh.at[dst_st], add=True)

    unpack(0, src_a, dst_a)
    fire(src_a, buf_a, sem_a)

    @pl.loop(0, ncs, step=2)
    def _(j):
        unpack(j + 1, src_b, dst_b)
        fire(src_b, buf_b, sem_b)
        wait(buf_a, sem_a)
        scat(buf_a, dst_a)

        @pl.when(j + 2 < ncs)
        def _():
            unpack(j + 2, src_a, dst_a)
            fire(src_a, buf_a, sem_a)

        wait(buf_b, sem_b)
        scat(buf_b, dst_b)

    plsc.subcore_barrier()

    pltpu.sync_copy(acc_sh.at[pl.ds(s * DRAIN_ROWS, DRAIN_ROWS)],
                    out_hbm.at[pl.ds(c * HALF_N + s * DRAIN_ROWS, DRAIN_ROWS)])

    @pl.when(s == 0)
    def _():
        tb = NUM_SUBCORES * DRAIN_ROWS
        pltpu.sync_copy(acc_sh.at[pl.ds(tb, DRAIN_TAIL)],
                        out_hbm.at[pl.ds(c * HALF_N + tb, DRAIN_TAIL)])


@jax.jit
def kernel(x, edge_index, W, b):
    blk = 1000
    grid = N // blk
    h = pl.pallas_call(
        _pre_body,
        grid=(grid,),
        in_specs=[
            pl.BlockSpec((blk, D), lambda i: (i, 0)),
            pl.BlockSpec((D, D), lambda i: (0, 0)),
            pl.BlockSpec((1, D), lambda i: (0, 0)),
        ],
        out_specs=pl.BlockSpec((blk, 2, D // 2), lambda i: (i, 0, 0)),
        out_shape=jax.ShapeDtypeStruct((N, 2, D // 2), jnp.float32),
    )(x, W, b.reshape(1, D))

    packed = (edge_index[1] << 16) | edge_index[0]

    mesh = plsc.VectorSubcoreMesh(core_axis_name="c", subcore_axis_name="s")
    part = pl.kernel(
        _part_body,
        out_type=[
            jax.ShapeDtypeStruct((NW * KEPT_CAP,), jnp.int32),
            jax.ShapeDtypeStruct((NW * 16,), jnp.int32),
        ],
        mesh=mesh,
        scratch_types=[
            pltpu.VMEM((PIECE,), jnp.int32),
            pltpu.VMEM((KEPT_CAP,), jnp.int32),
            pltpu.VMEM((16,), jnp.int32),
            pltpu.SemaphoreType.DMA,
        ],
        compiler_params=pltpu.CompilerParams(needs_layout_passes=False),
    )
    kept, cnt = part(packed)

    agg = pl.kernel(
        _agg_body,
        out_type=jax.ShapeDtypeStruct((N, 2, D // 2), jnp.float32),
        mesh=mesh,
        scratch_types=[
            pltpu.VMEM((KEPT_CAP,), jnp.int32),
            pltpu.VMEM((16,), jnp.int32),
            pltpu.VMEM((CHUNK,), jnp.int32),
            pltpu.VMEM((CHUNK,), jnp.int32),
            pltpu.VMEM((CHUNK,), jnp.int32),
            pltpu.VMEM((CHUNK,), jnp.int32),
            pltpu.VMEM((CHUNK, 2, D // 2), jnp.float32),
            pltpu.VMEM((CHUNK, 2, D // 2), jnp.float32),
            pltpu.VMEM_SHARED((ACC_ROWS, 2, D // 2), jnp.float32),
            pltpu.SemaphoreType.DMA,
            pltpu.SemaphoreType.DMA,
        ],
    )(h, kept, cnt)

    out = pl.pallas_call(
        _post_body,
        grid=(grid,),
        in_specs=[pl.BlockSpec((blk, 2, D // 2), lambda i: (i, 0, 0))],
        out_specs=pl.BlockSpec((blk, D), lambda i: (i, 0)),
        out_shape=jax.ShapeDtypeStruct((N, D), jnp.float32),
    )(agg)
    return out

# --- scband reference (transcript-rebuilt; emitter-appended) ---
"""Pipeline reference for scband-hgnnconv-56788057588125 (READ-ONLY COPY).

The authoritative reference and input builder live on the scoring server;
editing this copy changes nothing except your own understanding.
"""

import jax, jax.numpy as jnp
import numpy as np

N = 10000
E = 160000
D_IN = 256
D_OUT = 256
CURV = 1.0


def artanh(x):
    x = jnp.clip(x, -1.0 + 1e-5, 1.0 - 1e-5)
    return 0.5 * (jnp.log1p(x) - jnp.log1p(-x))


def logmap0(x, c=CURV):
    sqrt_c = c ** 0.5
    norm = jnp.maximum(jnp.linalg.norm(x, axis=-1, keepdims=True), 1e-15)
    return x / (sqrt_c * norm) * artanh(sqrt_c * norm)


def expmap0(u, c=CURV):
    sqrt_c = c ** 0.5
    norm = jnp.maximum(jnp.linalg.norm(u, axis=-1, keepdims=True), 1e-15)
    return jnp.tanh(sqrt_c * norm) * u / (sqrt_c * norm)


def setup_inputs(seed: int = 0) -> dict:
    key = jax.random.key(seed)
    k1, k2, k3 = jax.random.split(key, 3)
    x = jax.random.normal(k1, (N, D_IN), dtype=jnp.float32)
    edge_index = jax.random.randint(k2, (2, E), 0, N, dtype=jnp.int32)
    W = jax.random.normal(k3, (D_IN, D_OUT), dtype=jnp.float32) * (1.0 / np.sqrt(D_IN))
    b = jnp.zeros((D_OUT,), dtype=jnp.float32)
    return {"x": x, "edge_index": edge_index, "W": W, "b": b}


def reference(x, edge_index, W, b):
    # h = manifold.logmap0(x)
    h = logmap0(x)
    # GCNConv: linear transform (dropout p=0.0 in eval -> identity)
    h = h @ W + b
    # spmm(adj, hidden) realized as edge-wise gather + scatter-add
    src = edge_index[0]
    dst = edge_index[1]
    agg = jnp.zeros((x.shape[0], W.shape[1]), dtype=x.dtype).at[dst].add(jnp.take(h, src, axis=0))
    # act inside GCNConv
    h = jax.nn.relu(agg)
    # F.dropout(h, p=0.0, training=False) -> identity
    # h = manifold.expmap0(h)
    h = expmap0(h)
    # final relu
    h = jax.nn.relu(h)
    return h

if __name__ == "__main__":
    import jax
    _d = setup_inputs()
    print(jax.jit(kernel)(*tuple(_d.values())))

</pallas_src>

<mosaic_0001>
#map = affine_map<(d0, d1) -> (0, 0, 0)>
#map1 = affine_map<(d0, d1) -> (0)>
module attributes {stable_mosaic.version = 14 : i64} {
  func.func @_agg_body(%arg0: i32, %arg1: i32, %arg2: memref<10000x2x128xf32, #tpu.memory_space<hbm>>, %arg3: memref<327680xi32, #tpu.memory_space<hbm>>, %arg4: memref<512xi32, #tpu.memory_space<hbm>>, %arg5: memref<10000x2x128xf32, #tpu.memory_space<hbm>>, %arg6: memref<10240xi32, #tpu.memory_space<vmem>>, %arg7: memref<16xi32, #tpu.memory_space<vmem>>, %arg8: memref<64xi32, #tpu.memory_space<vmem>>, %arg9: memref<64xi32, #tpu.memory_space<vmem>>, %arg10: memref<64xi32, #tpu.memory_space<vmem>>, %arg11: memref<64xi32, #tpu.memory_space<vmem>>, %arg12: memref<64x2x128xf32, #tpu.memory_space<vmem>>, %arg13: memref<64x2x128xf32, #tpu.memory_space<vmem>>, %arg14: memref<5120x2x128xf32, #tpu.memory_space<vmem_shared>>, %arg15: memref<!tpu.dma_semaphore, #tpu.memory_space<semaphore_mem>>, %arg16: memref<!tpu.dma_semaphore, #tpu.memory_space<semaphore_mem>>) attributes {dimension_semantics = [#tpu.dimension_semantics<core_parallel>, #tpu.dimension_semantics<subcore_parallel>], iteration_bounds = array<i64: 2, 16>, scalar_prefetch = 0 : i64, scratch_operands = 11 : i64, tpu.core_type = #tpu.core_type<sc_vector_subcore>, window_params = [{transform_indices = #map}, {transform_indices = #map1}, {transform_indices = #map1}, {transform_indices = #map}]} {
    %mul3A = arith.constant 16 : i32
    %mul3A_0 = arith.muli %arg0, %mul3A : i32
    %add3A = arith.addi %mul3A_0, %arg1 : i32
    %scan3A = arith.constant 0 : i32
    %scan3A_1 = arith.constant 64 : i32
    %scan3A_2 = arith.addi %scan3A, %scan3A_1 : i32
    %scan3A_3 = arith.constant 1 : i32
    scf.for %scan3A_77 = %scan3A to %scan3A_2 step %scan3A_3  : i32 {
      %mul3A_78 = arith.constant 1 : i32
      %mul3A_79 = arith.muli %scan3A_77, %mul3A_78 : i32
      %add3A_80 = arith.constant 0 : i32
      %add3A_81 = arith.addi %add3A_80, %mul3A_79 : i32
      %scan3A_82 = arith.constant 0 : i32
      %scan3A_83 = arith.constant 8 : i32
      %scan3A_84 = arith.addi %scan3A_82, %scan3A_83 : i32
      %scan3A_85 = arith.constant 1 : i32
      scf.for %scan3A_87 = %scan3A_82 to %scan3A_84 step %scan3A_85  : i32 {
        %mul3A_88 = arith.constant 16 : i32
        %mul3A_89 = arith.muli %scan3A_87, %mul3A_88 : i32
        %add3A_90 = arith.constant 0 : i32
        %add3A_91 = arith.addi %add3A_90, %mul3A_89 : i32
        %broadcast_in_dim3A = arith.constant 0.000000e+00 : f32
        %broadcast_in_dim3A_92 = vector.broadcast %broadcast_in_dim3A : f32 to vector<16xf32>
        %swap3A = arith.constant 0 : i32
        %swap3A_93 = arith.index_cast %add3A_81 : i32 to index
        %swap3A_94 = arith.index_cast %swap3A : i32 to index
        %swap3A_95 = arith.index_cast %add3A_91 : i32 to index
        %swap3A_96 = tpu.vector_load %arg12[%swap3A_93, %swap3A_94, %swap3A_95] {strides = array<i32>} : memref<64x2x128xf32, #tpu.memory_space<vmem>>, vector<1x1x16xf32>,
        %swap3A_97 = vector.shape_cast %swap3A_96 : vector<1x1x16xf32> to vector<16xf32>
        %swap3A_98 = vector.shape_cast %broadcast_in_dim3A_92 : vector<16xf32> to vector<1x1x16xf32>
        tpu.vector_store %arg12[%swap3A_93, %swap3A_94, %swap3A_95], %swap3A_98 {strides = array<i32>} : memref<64x2x128xf32, #tpu.memory_space<vmem>>, vector<1x1x16xf32>,
        %broadcast_in_dim3A_99 = arith.constant 0.000000e+00 : f32
        %broadcast_in_dim3A_100 = vector.broadcast %broadcast_in_dim3A_99 : f32 to vector<16xf32>
        %swap3A_101 = arith.constant 1 : i32
        %swap3A_102 = arith.index_cast %add3A_81 : i32 to index
        %swap3A_103 = arith.index_cast %swap3A_101 : i32 to index
        %swap3A_104 = arith.index_cast %add3A_91 : i32 to index
        %swap3A_105 = tpu.vector_load %arg12[%swap3A_102, %swap3A_103, %swap3A_104] {strides = array<i32>} : memref<64x2x128xf32, #tpu.memory_space<vmem>>, vector<1x1x16xf32>,
        %swap3A_106 = vector.shape_cast %swap3A_105 : vector<1x1x16xf32> to vector<16xf32>
        %swap3A_107 = vector.shape_cast %broadcast_in_dim3A_100 : vector<16xf32> to vector<1x1x16xf32>
        tpu.vector_store %arg12[%swap3A_102, %swap3A_103, %swap3A_104], %swap3A_107 {strides = array<i32>} : memref<64x2x128xf32, #tpu.memory_space<vmem>>, vector<1x1x16xf32>,
      }
      %scan3A_86 = arith.constant 8 : i32
    }
    %scan3A_4 = arith.constant 64 : i32
    %scan3A_5 = arith.constant 0 : i32
    %scan3A_6 = arith.constant 5 : i32
    %scan3A_7 = arith.addi %scan3A_5, %scan3A_6 : i32
    %scan3A_8 = arith.constant 1 : i32
    scf.for %scan3A_77 = %scan3A_5 to %scan3A_7 step %scan3A_8  : i32 {
      %mul3A_78 = arith.constant 1 : i32
      %mul3A_79 = arith.muli %scan3A_77, %mul3A_78 : i32
      %add3A_80 = arith.constant 0 : i32
      %add3A_81 = arith.addi %add3A_80, %mul3A_79 : i32
      %mul3A_82 = arith.constant 320 : i32
      %mul3A_83 = arith.muli %arg1, %mul3A_82 : i32
      %mul3A_84 = arith.constant 64 : i32
      %mul3A_85 = arith.muli %add3A_81, %mul3A_84 : i32
      %add3A_86 = arith.addi %mul3A_83, %mul3A_85 : i32
      "tpu.region"() ({
        %run_scoped3A = tpu.sem_alloc : memref<!tpu.dma_semaphore, #tpu.memory_space<semaphore_mem>>
        %dma_start3A_87 = arith.constant 0 : i32
        %dma_start3A_88 = arith.constant 0 : i32
        %dma_start3A_89 = tpu.memref_slice %arg14[%add3A_86, %dma_start3A_87, %dma_start3A_88] : memref<5120x2x128xf32, #tpu.memory_space<vmem_shared>> -> memref<64x2x128xf32, #tpu.memory_space<vmem_shared>>
        %dma_start3A_90 = arith.constant 0 : i32
        %dma_start3A_91 = arith.constant 0 : i32
        %dma_start3A_92 = tpu.memref_slice %arg14[%add3A_86, %dma_start3A_90, %dma_start3A_91] : memref<5120x2x128xf32, #tpu.memory_space<vmem_shared>> -> memref<64x2x128xf32, #tpu.memory_space<vmem_shared>>
        tpu.enqueue_dma source(%arg12 : memref<64x2x128xf32, #tpu.memory_space<vmem>>) target(%dma_start3A_92 : memref<64x2x128xf32, #tpu.memory_space<vmem_shared>>) target_semaphore(%run_scoped3A : memref<!tpu.dma_semaphore, #tpu.memory_space<semaphore_mem>>)
        %dma_wait3A = arith.constant 0 : i32
        %dma_wait3A_93 = arith.constant 0 : i32
        %dma_wait3A_94 = tpu.memref_slice %arg14[%add3A_86, %dma_wait3A, %dma_wait3A_93] : memref<5120x2x128xf32, #tpu.memory_space<vmem_shared>> -> memref<64x2x128xf32, #tpu.memory_space<vmem_shared>>
        %dma_wait3A_95 = arith.constant 0 : i32
        %dma_wait3A_96 = arith.constant 0 : i32
        %dma_wait3A_97 = tpu.memref_slice %arg14[%add3A_86, %dma_wait3A_95, %dma_wait3A_96] : memref<5120x2x128xf32, #tpu.memory_space<vmem_shared>> -> memref<64x2x128xf32, #tpu.memory_space<vmem_shared>>
        tpu.wait_dma2 semaphore(%run_scoped3A : memref<!tpu.dma_semaphore, #tpu.memory_space<semaphore_mem>>) src(%arg12 : memref<64x2x128xf32, #tpu.memory_space<vmem>>) dst(%dma_wait3A_97 : memref<64x2x128xf32, #tpu.memory_space<vmem_shared>>)
        tpu.yield
      }) : () -> ()
    }
    %scan3A_9 = arith.constant 5 : i32
    %barrier3A = arith.constant 0 : index
    tpu.barrier barrier_id(%barrier3A)
    %mul3A_10 = arith.constant 10240 : i32
    %mul3A_11 = arith.muli %add3A, %mul3A_10 : i32
    "tpu.region"() ({
      %run_scoped3A = tpu.sem_alloc : memref<!tpu.dma_semaphore, #tpu.memory_space<semaphore_mem>>
      %dma_start3A_77 = tpu.memref_slice %arg3[%mul3A_11] : memref<327680xi32, #tpu.memory_space<hbm>> -> memref<10240xi32, #tpu.memory_space<hbm>>
      %dma_start3A_78 = tpu.memref_slice %arg3[%mul3A_11] : memref<327680xi32, #tpu.memory_space<hbm>> -> memref<10240xi32, #tpu.memory_space<hbm>>
      tpu.enqueue_dma source(%dma_start3A_78 : memref<10240xi32, #tpu.memory_space<hbm>>) target(%arg6 : memref<10240xi32, #tpu.memory_space<vmem>>) target_semaphore(%run_scoped3A : memref<!tpu.dma_semaphore, #tpu.memory_space<semaphore_mem>>)
      %dma_wait3A = tpu.memref_slice %arg3[%mul3A_11] : memref<327680xi32, #tpu.memory_space<hbm>> -> memref<10240xi32, #tpu.memory_space<hbm>>
      %dma_wait3A_79 = tpu.memref_slice %arg3[%mul3A_11] : memref<327680xi32, #tpu.memory_space<hbm>> -> memref<10240xi32, #tpu.memory_space<hbm>>
      tpu.wait_dma2 semaphore(%run_scoped3A : memref<!tpu.dma_semaphore, #tpu.memory_space<semaphore_mem>>) src(%dma_wait3A_79 : memref<10240xi32, #tpu.memory_space<hbm>>) dst(%arg6 : memref<10240xi32, #tpu.memory_space<vmem>>)
      tpu.yield
    }) : () -> ()
    %mul3A_12 = arith.constant 16 : i32
    %mul3A_13 = arith.muli %add3A, %mul3A_12 : i32
    "tpu.region"() ({
      %run_scoped3A = tpu.sem_alloc : memref<!tpu.dma_semaphore, #tpu.memory_space<semaphore_mem>>
      %dma_start3A_77 = tpu.memref_slice %arg4[%mul3A_13] : memref<512xi32, #tpu.memory_space<hbm>> -> memref<16xi32, #tpu.memory_space<hbm>>
      %dma_start3A_78 = tpu.memref_slice %arg4[%mul3A_13] : memref<512xi32, #tpu.memory_space<hbm>> -> memref<16xi32, #tpu.memory_space<hbm>>
      tpu.enqueue_dma source(%dma_start3A_78 : memref<16xi32, #tpu.memory_space<hbm>>) target(%arg7 : memref<16xi32, #tpu.memory_space<vmem>>) target_semaphore(%run_scoped3A : memref<!tpu.dma_semaphore, #tpu.memory_space<semaphore_mem>>)
      %dma_wait3A = tpu.memref_slice %arg4[%mul3A_13] : memref<512xi32, #tpu.memory_space<hbm>> -> memref<16xi32, #tpu.memory_space<hbm>>
      %dma_wait3A_79 = tpu.memref_slice %arg4[%mul3A_13] : memref<512xi32, #tpu.memory_space<hbm>> -> memref<16xi32, #tpu.memory_space<hbm>>
      tpu.wait_dma2 semaphore(%run_scoped3A : memref<!tpu.dma_semaphore, #tpu.memory_space<semaphore_mem>>) src(%dma_wait3A_79 : memref<16xi32, #tpu.memory_space<hbm>>) dst(%arg7 : memref<16xi32, #tpu.memory_space<vmem>>)
      tpu.yield
    }) : () -> ()
    %get3A = arith.constant 0 : index
    %get3A_14 = tpu.vector_load %arg7[%get3A] {strides = array<i32>} : memref<16xi32, #tpu.memory_space<vmem>>, vector<16xi32>,
    %get3A_15 = vector.shape_cast %get3A_14 : vector<16xi32> to vector<16xi32>
    %slice3A = vector.extract_strided_slice %get3A_15 {offsets = [0], sizes = [1], strides = [1]} : vector<16xi32> to vector<1xi32>
    %squeeze3A = vector.extract %slice3A[0] : i32 from vector<1xi32>
    %add3A_16 = arith.constant 128 : i32
    %add3A_17 = arith.addi %squeeze3A, %add3A_16 : i32
    %sub3A = arith.constant 1 : i32
    %sub3A_18 = arith.subi %add3A_17, %sub3A : i32
    %jit3A = arith.constant 128 : i32
    %div3A = arith.divsi %sub3A_18, %jit3A : i32
    %sign3A = arith.constant 0 : i32
    %sign3A_19 = arith.cmpi sgt, %sub3A_18, %sign3A : i32
    %sign3A_20 = arith.extui %sign3A_19 : i1 to i32
    %sign3A_21 = arith.constant 0 : i32
    %sign3A_22 = arith.cmpi slt, %sub3A_18, %sign3A_21 : i32
    %sign3A_23 = arith.extui %sign3A_22 : i1 to i32
    %sign3A_24 = arith.subi %sign3A_20, %sign3A_23 : i32
    %sign3A_25 = arith.constant 0 : i32
    %sign3A_26 = arith.cmpi sgt, %jit3A, %sign3A_25 : i32
    %sign3A_27 = arith.extui %sign3A_26 : i1 to i32
    %sign3A_28 = arith.constant 0 : i32
    %sign3A_29 = arith.cmpi slt, %jit3A, %sign3A_28 : i32
    %sign3A_30 = arith.extui %sign3A_29 : i1 to i32
    %sign3A_31 = arith.subi %sign3A_27, %sign3A_30 : i32
    %ne3A = arith.cmpi ne, %sign3A_24, %sign3A_31 : i32
    %rem3A = arith.remsi %sub3A_18, %jit3A : i32
    %ne3A_32 = arith.constant 0 : i32
    %ne3A_33 = arith.cmpi ne, %rem3A, %ne3A_32 : i32
    %and3A = arith.andi %ne3A, %ne3A_33 : i1
    %sub3A_34 = arith.constant 1 : i32
    %sub3A_35 = arith.subi %div3A, %sub3A_34 : i32
    %select_n3A = arith.select %and3A, %sub3A_35, %div3A : i32
    %max3A = arith.constant 1 : i32
    %max3A_36 = arith.maxsi %select_n3A, %max3A : i32
    %mul3A_37 = arith.constant 2 : i32
    %mul3A_38 = arith.muli %mul3A_37, %max3A_36 : i32
    %mul3A_39 = arith.constant 5000 : i32
    %mul3A_40 = arith.muli %arg0, %mul3A_39 : i32
    %scan3A_41 = arith.constant 0 : i32
    %scan3A_42 = arith.constant 4 : i32
    %scan3A_43 = arith.addi %scan3A_41, %scan3A_42 : i32
    %scan3A_44 = arith.constant 1 : i32
    scf.for %scan3A_77 = %scan3A_41 to %scan3A_43 step %scan3A_44  : i32 {
      %mul3A_78 = arith.constant 16 : i32
      %mul3A_79 = arith.muli %scan3A_77, %mul3A_78 : i32
      %add3A_80 = arith.constant 0 : i32
      %add3A_81 = arith.addi %add3A_80, %mul3A_79 : i32
      %add3A_82 = arith.constant 0 : i32
      %add3A_83 = arith.addi %add3A_82, %add3A_81 : i32
      %get3A_84 = arith.index_cast %add3A_83 : i32 to index
      %get3A_85 = tpu.vector_load %arg6[%get3A_84] {strides = array<i32>} : memref<10240xi32, #tpu.memory_space<vmem>>, vector<16xi32>,
      %get3A_86 = vector.shape_cast %get3A_85 : vector<16xi32> to vector<16xi32>
      %and3A_87 = arith.constant 65535 : i32
      %and3A_88 = vector.broadcast %and3A_87 : i32 to vector<16xi32>
      %and3A_89 = arith.andi %get3A_86, %and3A_88 : vector<16xi32>
      %swap3A = arith.index_cast %add3A_81 : i32 to index
      %swap3A_90 = tpu.vector_load %arg8[%swap3A] {strides = array<i32>} : memref<64xi32, #tpu.memory_space<vmem>>, vector<16xi32>,
      %swap3A_91 = vector.shape_cast %swap3A_90 : vector<16xi32> to vector<16xi32>
      %swap3A_92 = vector.shape_cast %and3A_89 : vector<16xi32> to vector<16xi32>
      tpu.vector_store %arg8[%swap3A], %swap3A_92 {strides = array<i32>} : memref<64xi32, #tpu.memory_space<vmem>>, vector<16xi32>,
      %shift_right_arithmetic3A = arith.constant 16 : i32
      %shift_right_arithmetic3A_93 = vector.broadcast %shift_right_arithmetic3A : i32 to vector<16xi32>
      %shift_right_arithmetic3A_94 = arith.shrsi %get3A_86, %shift_right_arithmetic3A_93 : vector<16xi32>
      %sub3A_95 = vector.broadcast %mul3A_40 : i32 to vector<16xi32>
      %sub3A_96 = arith.subi %shift_right_arithmetic3A_94, %sub3A_95 : vector<16xi32>
      %swap3A_97 = arith.index_cast %add3A_81 : i32 to index
      %swap3A_98 = tpu.vector_load %arg10[%swap3A_97] {strides = array<i32>} : memref<64xi32, #tpu.memory_space<vmem>>, vector<16xi32>,
      %swap3A_99 = vector.shape_cast %swap3A_98 : vector<16xi32> to vector<16xi32>
      %swap3A_100 = vector.shape_cast %sub3A_96 : vector<16xi32> to vector<16xi32>
      tpu.vector_store %arg10[%swap3A_97], %swap3A_100 {strides = array<i32>} : memref<64xi32, #tpu.memory_space<vmem>>, vector<16xi32>,
    }
    %scan3A_45 = arith.constant 4 : i32
    %dma_start3A = arith.constant 0 : i32
    %dma_start3A_46 = arith.constant 0 : i32
    %dma_start3A_47 = arith.constant 0 : i32
    %dma_start3A_48 = tpu.memref_slice %arg2[%dma_start3A, %dma_start3A_46, %dma_start3A_47] : memref<10000x2x128xf32, #tpu.memory_space<hbm>> -> memref<10000x2x128xf32, #tpu.memory_space<hbm>>
    tpu.enqueue_indirect_dma source(%dma_start3A_48 : memref<10000x2x128xf32, #tpu.memory_space<hbm>>) target(%arg12 : memref<64x2x128xf32, #tpu.memory_space<vmem>>) offsets(%arg8 : memref<64xi32, #tpu.memory_space<vmem>>) semaphore(%arg15 : memref<!tpu.dma_semaphore, #tpu.memory_space<semaphore_mem>>)
    %sub3A_49 = arith.constant 0 : i32
    %sub3A_50 = arith.subi %mul3A_38, %sub3A_49 : i32
    %sub3A_51 = arith.constant 2 : i32
    %sub3A_52 = arith.constant 1 : i32
    %sub3A_53 = arith.subi %sub3A_51, %sub3A_52 : i32
    %add3A_54 = arith.addi %sub3A_50, %sub3A_53 : i32
    %div3A_55 = arith.constant 2 : i32
    %div3A_56 = arith.divsi %add3A_54, %div3A_55 : i32
    %while3A = arith.constant 2 : i32
    %while3A_57 = arith.constant 0 : i32
    %while3A_58 = arith.constant 0 : i32
    %while3A_59 = arith.subi %div3A_56, %while3A_58 : i32
    %while3A_60 = arith.addi %while3A_58, %while3A_59 : i32
    %while3A_61 = arith.constant 1 : i32
    %while3A_62 = arith.divsi %while3A_59, %while3A_61 : i32
    %while3A_63 = arith.muli %while3A_62, %while3A_61 : i32
    %while3A_64 = arith.addi %while3A_58, %while3A_63 : i32
    %while3A_65 = arith.constant 1 : i32
    scf.for %while3A_77 = %while3A_58 to %while3A_64 step %while3A_65  : i32 {
      %mul3A_78 = arith.muli %while3A_77, %while3A : i32
      %add3A_79 = arith.addi %while3A_57, %mul3A_78 : i32
      %add3A_80 = arith.constant 1 : i32
      %add3A_81 = arith.addi %add3A_79, %add3A_80 : i32
      %scan3A_82 = arith.constant 0 : i32
      %scan3A_83 = arith.constant 4 : i32
      %scan3A_84 = arith.addi %scan3A_82, %scan3A_83 : i32
      %scan3A_85 = arith.constant 1 : i32
      scf.for %scan3A_103 = %scan3A_82 to %scan3A_84 step %scan3A_85  : i32 {
        %mul3A_104 = arith.constant 16 : i32
        %mul3A_105 = arith.muli %scan3A_103, %mul3A_104 : i32
        %add3A_106 = arith.constant 0 : i32
        %add3A_107 = arith.addi %add3A_106, %mul3A_105 : i32
        %mul3A_108 = arith.constant 64 : i32
        %mul3A_109 = arith.muli %add3A_81, %mul3A_108 : i32
        %add3A_110 = arith.addi %mul3A_109, %add3A_107 : i32
        %get3A_111 = arith.index_cast %add3A_110 : i32 to index
        %get3A_112 = tpu.vector_load %arg6[%get3A_111] {strides = array<i32>} : memref<10240xi32, #tpu.memory_space<vmem>>, vector<16xi32>,
        %get3A_113 = vector.shape_cast %get3A_112 : vector<16xi32> to vector<16xi32>
        %and3A_114 = arith.constant 65535 : i32
        %and3A_115 = vector.broadcast %and3A_114 : i32 to vector<16xi32>
        %and3A_116 = arith.andi %get3A_113, %and3A_115 : vector<16xi32>
        %swap3A = arith.index_cast %add3A_107 : i32 to index
        %swap3A_117 = tpu.vector_load %arg9[%swap3A] {strides = array<i32>} : memref<64xi32, #tpu.memory_space<vmem>>, vector<16xi32>,
        %swap3A_118 = vector.shape_cast %swap3A_117 : vector<16xi32> to vector<16xi32>
        %swap3A_119 = vector.shape_cast %and3A_116 : vector<16xi32> to vector<16xi32>
        tpu.vector_store %arg9[%swap3A], %swap3A_119 {strides = array<i32>} : memref<64xi32, #tpu.memory_space<vmem>>, vector<16xi32>,
        %shift_right_arithmetic3A = arith.constant 16 : i32
        %shift_right_arithmetic3A_120 = vector.broadcast %shift_right_arithmetic3A : i32 to vector<16xi32>
        %shift_right_arithmetic3A_121 = arith.shrsi %get3A_113, %shift_right_arithmetic3A_120 : vector<16xi32>
        %sub3A_122 = vector.broadcast %mul3A_40 : i32 to vector<16xi32>
        %sub3A_123 = arith.subi %shift_right_arithmetic3A_121, %sub3A_122 : vector<16xi32>
        %swap3A_124 = arith.index_cast %add3A_107 : i32 to index
        %swap3A_125 = tpu.vector_load %arg11[%swap3A_124] {strides = array<i32>} : memref<64xi32, #tpu.memory_space<vmem>>, vector<16xi32>,
        %swap3A_126 = vector.shape_cast %swap3A_125 : vector<16xi32> to vector<16xi32>
        %swap3A_127 = vector.shape_cast %sub3A_123 : vector<16xi32> to vector<16xi32>
        tpu.vector_store %arg11[%swap3A_124], %swap3A_127 {strides = array<i32>} : memref<64xi32, #tpu.memory_space<vmem>>, vector<16xi32>,
      }
      %scan3A_86 = arith.constant 4 : i32
      %dma_start3A_87 = arith.constant 0 : i32
      %dma_start3A_88 = arith.constant 0 : i32
      %dma_start3A_89 = arith.constant 0 : i32
      %dma_start3A_90 = tpu.memref_slice %arg2[%dma_start3A_87, %dma_start3A_88, %dma_start3A_89] : memref<10000x2x128xf32, #tpu.memory_space<hbm>> -> memref<10000x2x128xf32, #tpu.memory_space<hbm>>
      tpu.enqueue_indirect_dma source(%dma_start3A_90 : memref<10000x2x128xf32, #tpu.memory_space<hbm>>) target(%arg13 : memref<64x2x128xf32, #tpu.memory_space<vmem>>) offsets(%arg9 : memref<64xi32, #tpu.memory_space<vmem>>) semaphore(%arg16 : memref<!tpu.dma_semaphore, #tpu.memory_space<semaphore_mem>>)
      %dma_wait3A = arith.constant 0 : i32
      %dma_wait3A_91 = arith.constant 0 : i32
      %dma_wait3A_92 = arith.constant 0 : i32
      %dma_wait3A_93 = tpu.memref_slice %arg2[%dma_wait3A, %dma_wait3A_91, %dma_wait3A_92] : memref<10000x2x128xf32, #tpu.memory_space<hbm>> -> memref<10000x2x128xf32, #tpu.memory_space<hbm>>
      tpu.wait_indirect_dma semaphore(%arg15 : memref<!tpu.dma_semaphore, #tpu.memory_space<semaphore_mem>>) src(%dma_wait3A_93 : memref<10000x2x128xf32, #tpu.memory_space<hbm>>) dst(%arg12 : memref<64x2x128xf32, #tpu.memory_space<vmem>>)
      "tpu.region"() ({
        %run_scoped3A = tpu.sem_alloc : memref<!tpu.dma_semaphore, #tpu.memory_space<semaphore_mem>>
        %dma_start3A_103 = arith.constant 0 : i32
        %dma_start3A_104 = arith.constant 0 : i32
        %dma_start3A_105 = arith.constant 0 : i32
        %dma_start3A_106 = tpu.memref_slice %arg14[%dma_start3A_103, %dma_start3A_104, %dma_start3A_105] : memref<5120x2x128xf32, #tpu.memory_space<vmem_shared>> -> memref<5120x2x128xf32, #tpu.memory_space<vmem_shared>>
        tpu.enqueue_indirect_dma source(%arg12 : memref<64x2x128xf32, #tpu.memory_space<vmem>>) target(%dma_start3A_106 : memref<5120x2x128xf32, #tpu.memory_space<vmem_shared>>) offsets(%arg10 : memref<64xi32, #tpu.memory_space<vmem>>) semaphore(%run_scoped3A : memref<!tpu.dma_semaphore, #tpu.memory_space<semaphore_mem>>) {add = true}
        %dma_wait3A_107 = arith.constant 0 : i32
        %dma_wait3A_108 = arith.constant 0 : i32
        %dma_wait3A_109 = arith.constant 0 : i32
        %dma_wait3A_110 = tpu.memref_slice %arg14[%dma_wait3A_107, %dma_wait3A_108, %dma_wait3A_109] : memref<5120x2x128xf32, #tpu.memory_space<vmem_shared>> -> memref<5120x2x128xf32, #tpu.memory_space<vmem_shared>>
        tpu.wait_indirect_dma semaphore(%run_scoped3A : memref<!tpu.dma_semaphore, #tpu.memory_space<semaphore_mem>>) src(%arg12 : memref<64x2x128xf32, #tpu.memory_space<vmem>>) dst(%dma_wait3A_110 : memref<5120x2x128xf32, #tpu.memory_space<vmem_shared>>)
        tpu.yield
      }) : () -> ()
      %add3A_94 = arith.constant 2 : i32
      %add3A_95 = arith.addi %add3A_79, %add3A_94 : i32
      %lt3A = arith.cmpi slt, %add3A_95, %mul3A_38 : i32
      %convert_element_type3A_96 = arith.extui %lt3A : i1 to i32
      %cond3A_97 = arith.constant 0 : i32
      %cond3A_98 = arith.cmpi ne, %convert_element_type3A_96, %cond3A_97 : i32
      scf.if %cond3A_98 {
        %add3A_103 = arith.constant 2 : i32
        %add3A_104 = arith.addi %add3A_79, %add3A_103 : i32
        %scan3A_105 = arith.constant 0 : i32
        %scan3A_106 = arith.constant 4 : i32
        %scan3A_107 = arith.addi %scan3A_105, %scan3A_106 : i32
        %scan3A_108 = arith.constant 1 : i32
        scf.for %scan3A_114 = %scan3A_105 to %scan3A_107 step %scan3A_108  : i32 {
          %mul3A_115 = arith.constant 16 : i32
          %mul3A_116 = arith.muli %scan3A_114, %mul3A_115 : i32
          %add3A_117 = arith.constant 0 : i32
          %add3A_118 = arith.addi %add3A_117, %mul3A_116 : i32
          %mul3A_119 = arith.constant 64 : i32
          %mul3A_120 = arith.muli %add3A_104, %mul3A_119 : i32
          %add3A_121 = arith.addi %mul3A_120, %add3A_118 : i32
          %get3A_122 = arith.index_cast %add3A_121 : i32 to index
          %get3A_123 = tpu.vector_load %arg6[%get3A_122] {strides = array<i32>} : memref<10240xi32, #tpu.memory_space<vmem>>, vector<16xi32>,
          %get3A_124 = vector.shape_cast %get3A_123 : vector<16xi32> to vector<16xi32>
          %and3A_125 = arith.constant 65535 : i32
          %and3A_126 = vector.broadcast %and3A_125 : i32 to vector<16xi32>
          %and3A_127 = arith.andi %get3A_124, %and3A_126 : vector<16xi32>
          %swap3A = arith.index_cast %add3A_118 : i32 to index
          %swap3A_128 = tpu.vector_load %arg8[%swap3A] {strides = array<i32>} : memref<64xi32, #tpu.memory_space<vmem>>, vector<16xi32>,
          %swap3A_129 = vector.shape_cast %swap3A_128 : vector<16xi32> to vector<16xi32>
          %swap3A_130 = vector.shape_cast %and3A_127 : vector<16xi32> to vector<16xi32>
          tpu.vector_store %arg8[%swap3A], %swap3A_130 {strides = array<i32>} : memref<64xi32, #tpu.memory_space<vmem>>, vector<16xi32>,
          %shift_right_arithmetic3A = arith.constant 16 : i32
          %shift_right_arithmetic3A_131 = vector.broadcast %shift_right_arithmetic3A : i32 to vector<16xi32>
          %shift_right_arithmetic3A_132 = arith.shrsi %get3A_124, %shift_right_arithmetic3A_131 : vector<16xi32>
          %sub3A_133 = vector.broadcast %mul3A_40 : i32 to vector<16xi32>
          %sub3A_134 = arith.subi %shift_right_arithmetic3A_132, %sub3A_133 : vector<16xi32>
          %swap3A_135 = arith.index_cast %add3A_118 : i32 to index
          %swap3A_136 = tpu.vector_load %arg10[%swap3A_135] {strides = array<i32>} : memref<64xi32, #tpu.memory_space<vmem>>, vector<16xi32>,
          %swap3A_137 = vector.shape_cast %swap3A_136 : vector<16xi32> to vector<16xi32>
          %swap3A_138 = vector.shape_cast %sub3A_134 : vector<16xi32> to vector<16xi32>
          tpu.vector_store %arg10[%swap3A_135], %swap3A_138 {strides = array<i32>} : memref<64xi32, #tpu.memory_space<vmem>>, vector<16xi32>,
        }
        %scan3A_109 = arith.constant 4 : i32
        %dma_start3A_110 = arith.constant 0 : i32
        %dma_start3A_111 = arith.constant 0 : i32
        %dma_start3A_112 = arith.constant 0 : i32
        %dma_start3A_113 = tpu.memref_slice %arg2[%dma_start3A_110, %dma_start3A_111, %dma_start3A_112] : memref<10000x2x128xf32, #tpu.memory_space<hbm>> -> memref<10000x2x128xf32, #tpu.memory_space<hbm>>
        tpu.enqueue_indirect_dma source(%dma_start3A_113 : memref<10000x2x128xf32, #tpu.memory_space<hbm>>) target(%arg12 : memref<64x2x128xf32, #tpu.memory_space<vmem>>) offsets(%arg8 : memref<64xi32, #tpu.memory_space<vmem>>) semaphore(%arg15 : memref<!tpu.dma_semaphore, #tpu.memory_space<semaphore_mem>>)
      } else {
      }
      %dma_wait3A_99 = arith.constant 0 : i32
      %dma_wait3A_100 = arith.constant 0 : i32
      %dma_wait3A_101 = arith.constant 0 : i32
      %dma_wait3A_102 = tpu.memref_slice %arg2[%dma_wait3A_99, %dma_wait3A_100, %dma_wait3A_101] : memref<10000x2x128xf32, #tpu.memory_space<hbm>> -> memref<10000x2x128xf32, #tpu.memory_space<hbm>>
      tpu.wait_indirect_dma semaphore(%arg16 : memref<!tpu.dma_semaphore, #tpu.memory_space<semaphore_mem>>) src(%dma_wait3A_102 : memref<10000x2x128xf32, #tpu.memory_space<hbm>>) dst(%arg13 : memref<64x2x128xf32, #tpu.memory_space<vmem>>)
      "tpu.region"() ({
        %run_scoped3A = tpu.sem_alloc : memref<!tpu.dma_semaphore, #tpu.memory_space<semaphore_mem>>
        %dma_start3A_103 = arith.constant 0 : i32
        %dma_start3A_104 = arith.constant 0 : i32
        %dma_start3A_105 = arith.constant 0 : i32
        %dma_start3A_106 = tpu.memref_slice %arg14[%dma_start3A_103, %dma_start3A_104, %dma_start3A_105] : memref<5120x2x128xf32, #tpu.memory_space<vmem_shared>> -> memref<5120x2x128xf32, #tpu.memory_space<vmem_shared>>
        tpu.enqueue_indirect_dma source(%arg13 : memref<64x2x128xf32, #tpu.memory_space<vmem>>) target(%dma_start3A_106 : memref<5120x2x128xf32, #tpu.memory_space<vmem_shared>>) offsets(%arg11 : memref<64xi32, #tpu.memory_space<vmem>>) semaphore(%run_scoped3A : memref<!tpu.dma_semaphore, #tpu.memory_space<semaphore_mem>>) {add = true}
        %dma_wait3A_107 = arith.constant 0 : i32
        %dma_wait3A_108 = arith.constant 0 : i32
        %dma_wait3A_109 = arith.constant 0 : i32
        %dma_wait3A_110 = tpu.memref_slice %arg14[%dma_wait3A_107, %dma_wait3A_108, %dma_wait3A_109] : memref<5120x2x128xf32, #tpu.memory_space<vmem_shared>> -> memref<5120x2x128xf32, #tpu.memory_space<vmem_shared>>
        tpu.wait_indirect_dma semaphore(%run_scoped3A : memref<!tpu.dma_semaphore, #tpu.memory_space<semaphore_mem>>) src(%arg13 : memref<64x2x128xf32, #tpu.memory_space<vmem>>) dst(%dma_wait3A_110 : memref<5120x2x128xf32, #tpu.memory_space<vmem_shared>>)
        tpu.yield
      }) : () -> ()
    }
    %while3A_66 = arith.constant 1 : i32
    scf.for %while3A_77 = %while3A_64 to %while3A_60 step %while3A_66  : i32 {
      %mul3A_78 = arith.muli %while3A_77, %while3A : i32
      %add3A_79 = arith.addi %while3A_57, %mul3A_78 : i32
      %add3A_80 = arith.constant 1 : i32
      %add3A_81 = arith.addi %add3A_79, %add3A_80 : i32
      %scan3A_82 = arith.constant 0 : i32
      %scan3A_83 = arith.constant 4 : i32
      %scan3A_84 = arith.addi %scan3A_82, %scan3A_83 : i32
      %scan3A_85 = arith.constant 1 : i32
      scf.for %scan3A_103 = %scan3A_82 to %scan3A_84 step %scan3A_85  : i32 {
        %mul3A_104 = arith.constant 16 : i32
        %mul3A_105 = arith.muli %scan3A_103, %mul3A_104 : i32
        %add3A_106 = arith.constant 0 : i32
        %add3A_107 = arith.addi %add3A_106, %mul3A_105 : i32
        %mul3A_108 = arith.constant 64 : i32
        %mul3A_109 = arith.muli %add3A_81, %mul3A_108 : i32
        %add3A_110 = arith.addi %mul3A_109, %add3A_107 : i32
        %get3A_111 = arith.index_cast %add3A_110 : i32 to index
        %get3A_112 = tpu.vector_load %arg6[%get3A_111] {strides = array<i32>} : memref<10240xi32, #tpu.memory_space<vmem>>, vector<16xi32>,
        %get3A_113 = vector.shape_cast %get3A_112 : vector<16xi32> to vector<16xi32>
        %and3A_114 = arith.constant 65535 : i32
        %and3A_115 = vector.broadcast %and3A_114 : i32 to vector<16xi32>
        %and3A_116 = arith.andi %get3A_113, %and3A_115 : vector<16xi32>
        %swap3A = arith.index_cast %add3A_107 : i32 to index
        %swap3A_117 = tpu.vector_load %arg9[%swap3A] {strides = array<i32>} : memref<64xi32, #tpu.memory_space<vmem>>, vector<16xi32>,
        %swap3A_118 = vector.shape_cast %swap3A_117 : vector<16xi32> to vector<16xi32>
        %swap3A_119 = vector.shape_cast %and3A_116 : vector<16xi32> to vector<16xi32>
        tpu.vector_store %arg9[%swap3A], %swap3A_119 {strides = array<i32>} : memref<64xi32, #tpu.memory_space<vmem>>, vector<16xi32>,
        %shift_right_arithmetic3A = arith.constant 16 : i32
        %shift_right_arithmetic3A_120 = vector.broadcast %shift_right_arithmetic3A : i32 to vector<16xi32>
        %shift_right_arithmetic3A_121 = arith.shrsi %get3A_113, %shift_right_arithmetic3A_120 : vector<16xi32>
        %sub3A_122 = vector.broadcast %mul3A_40 : i32 to vector<16xi32>
        %sub3A_123 = arith.subi %shift_right_arithmetic3A_121, %sub3A_122 : vector<16xi32>
        %swap3A_124 = arith.index_cast %add3A_107 : i32 to index
        %swap3A_125 = tpu.vector_load %arg11[%swap3A_124] {strides = array<i32>} : memref<64xi32, #tpu.memory_space<vmem>>, vector<16xi32>,
        %swap3A_126 = vector.shape_cast %swap3A_125 : vector<16xi32> to vector<16xi32>
        %swap3A_127 = vector.shape_cast %sub3A_123 : vector<16xi32> to vector<16xi32>
        tpu.vector_store %arg11[%swap3A_124], %swap3A_127 {strides = array<i32>} : memref<64xi32, #tpu.memory_space<vmem>>, vector<16xi32>,
      }
      %scan3A_86 = arith.constant 4 : i32
      %dma_start3A_87 = arith.constant 0 : i32
      %dma_start3A_88 = arith.constant 0 : i32
      %dma_start3A_89 = arith.constant 0 : i32
      %dma_start3A_90 = tpu.memref_slice %arg2[%dma_start3A_87, %dma_start3A_88, %dma_start3A_89] : memref<10000x2x128xf32, #tpu.memory_space<hbm>> -> memref<10000x2x128xf32, #tpu.memory_space<hbm>>
      tpu.enqueue_indirect_dma source(%dma_start3A_90 : memref<10000x2x128xf32, #tpu.memory_space<hbm>>) target(%arg13 : memref<64x2x128xf32, #tpu.memory_space<vmem>>) offsets(%arg9 : memref<64xi32, #tpu.memory_space<vmem>>) semaphore(%arg16 : memref<!tpu.dma_semaphore, #tpu.memory_space<semaphore_mem>>)
      %dma_wait3A = arith.constant 0 : i32
      %dma_wait3A_91 = arith.constant 0 : i32
      %dma_wait3A_92 = arith.constant 0 : i32
      %dma_wait3A_93 = tpu.memref_slice %arg2[%dma_wait3A, %dma_wait3A_91, %dma_wait3A_92] : memref<10000x2x128xf32, #tpu.memory_space<hbm>> -> memref<10000x2x128xf32, #tpu.memory_space<hbm>>
      tpu.wait_indirect_dma semaphore(%arg15 : memref<!tpu.dma_semaphore, #tpu.memory_space<semaphore_mem>>) src(%dma_wait3A_93 : memref<10000x2x128xf32, #tpu.memory_space<hbm>>) dst(%arg12 : memref<64x2x128xf32, #tpu.memory_space<vmem>>)
      "tpu.region"() ({
        %run_scoped3A = tpu.sem_alloc : memref<!tpu.dma_semaphore, #tpu.memory_space<semaphore_mem>>
        %dma_start3A_103 = arith.constant 0 : i32
        %dma_start3A_104 = arith.constant 0 : i32
        %dma_start3A_105 = arith.constant 0 : i32
        %dma_start3A_106 = tpu.memref_slice %arg14[%dma_start3A_103, %dma_start3A_104, %dma_start3A_105] : memref<5120x2x128xf32, #tpu.memory_space<vmem_shared>> -> memref<5120x2x128xf32, #tpu.memory_space<vmem_shared>>
        tpu.enqueue_indirect_dma source(%arg12 : memref<64x2x128xf32, #tpu.memory_space<vmem>>) target(%dma_start3A_106 : memref<5120x2x128xf32, #tpu.memory_space<vmem_shared>>) offsets(%arg10 : memref<64xi32, #tpu.memory_space<vmem>>) semaphore(%run_scoped3A : memref<!tpu.dma_semaphore, #tpu.memory_space<semaphore_mem>>) {add = true}
        %dma_wait3A_107 = arith.constant 0 : i32
        %dma_wait3A_108 = arith.constant 0 : i32
        %dma_wait3A_109 = arith.constant 0 : i32
        %dma_wait3A_110 = tpu.memref_slice %arg14[%dma_wait3A_107, %dma_wait3A_108, %dma_wait3A_109] : memref<5120x2x128xf32, #tpu.memory_space<vmem_shared>> -> memref<5120x2x128xf32, #tpu.memory_space<vmem_shared>>
        tpu.wait_indirect_dma semaphore(%run_scoped3A : memref<!tpu.dma_semaphore, #tpu.memory_space<semaphore_mem>>) src(%arg12 : memref<64x2x128xf32, #tpu.memory_space<vmem>>) dst(%dma_wait3A_110 : memref<5120x2x128xf32, #tpu.memory_space<vmem_shared>>)
        tpu.yield
      }) : () -> ()
      %add3A_94 = arith.constant 2 : i32
      %add3A_95 = arith.addi %add3A_79, %add3A_94 : i32
      %lt3A = arith.cmpi slt, %add3A_95, %mul3A_38 : i32
      %convert_element_type3A_96 = arith.extui %lt3A : i1 to i32
      %cond3A_97 = arith.constant 0 : i32
      %cond3A_98 = arith.cmpi ne, %convert_element_type3A_96, %cond3A_97 : i32
      scf.if %cond3A_98 {
        %add3A_103 = arith.constant 2 : i32
        %add3A_104 = arith.addi %add3A_79, %add3A_103 : i32
        %scan3A_105 = arith.constant 0 : i32
        %scan3A_106 = arith.constant 4 : i32
        %scan3A_107 = arith.addi %scan3A_105, %scan3A_106 : i32
        %scan3A_108 = arith.constant 1 : i32
        scf.for %scan3A_114 = %scan3A_105 to %scan3A_107 step %scan3A_108  : i32 {
          %mul3A_115 = arith.constant 16 : i32
          %mul3A_116 = arith.muli %scan3A_114, %mul3A_115 : i32
          %add3A_117 = arith.constant 0 : i32
          %add3A_118 = arith.addi %add3A_117, %mul3A_116 : i32
          %mul3A_119 = arith.constant 64 : i32
          %mul3A_120 = arith.muli %add3A_104, %mul3A_119 : i32
          %add3A_121 = arith.addi %mul3A_120, %add3A_118 : i32
          %get3A_122 = arith.index_cast %add3A_121 : i32 to index
          %get3A_123 = tpu.vector_load %arg6[%get3A_122] {strides = array<i32>} : memref<10240xi32, #tpu.memory_space<vmem>>, vector<16xi32>,
          %get3A_124 = vector.shape_cast %get3A_123 : vector<16xi32> to vector<16xi32>
          %and3A_125 = arith.constant 65535 : i32
          %and3A_126 = vector.broadcast %and3A_125 : i32 to vector<16xi32>
          %and3A_127 = arith.andi %get3A_124, %and3A_126 : vector<16xi32>
          %swap3A = arith.index_cast %add3A_118 : i32 to index
          %swap3A_128 = tpu.vector_load %arg8[%swap3A] {strides = array<i32>} : memref<64xi32, #tpu.memory_space<vmem>>, vector<16xi32>,
          %swap3A_129 = vector.shape_cast %swap3A_128 : vector<16xi32> to vector<16xi32>
          %swap3A_130 = vector.shape_cast %and3A_127 : vector<16xi32> to vector<16xi32>
          tpu.vector_store %arg8[%swap3A], %swap3A_130 {strides = array<i32>} : memref<64xi32, #tpu.memory_space<vmem>>, vector<16xi32>,
          %shift_right_arithmetic3A = arith.constant 16 : i32
          %shift_right_arithmetic3A_131 = vector.broadcast %shift_right_arithmetic3A : i32 to vector<16xi32>
          %shift_right_arithmetic3A_132 = arith.shrsi %get3A_124, %shift_right_arithmetic3A_131 : vector<16xi32>
          %sub3A_133 = vector.broadcast %mul3A_40 : i32 to vector<16xi32>
          %sub3A_134 = arith.subi %shift_right_arithmetic3A_132, %sub3A_133 : vector<16xi32>
          %swap3A_135 = arith.index_cast %add3A_118 : i32 to index
          %swap3A_136 = tpu.vector_load %arg10[%swap3A_135] {strides = array<i32>} : memref<64xi32, #tpu.memory_space<vmem>>, vector<16xi32>,
          %swap3A_137 = vector.shape_cast %swap3A_136 : vector<16xi32> to vector<16xi32>
          %swap3A_138 = vector.shape_cast %sub3A_134 : vector<16xi32> to vector<16xi32>
          tpu.vector_store %arg10[%swap3A_135], %swap3A_138 {strides = array<i32>} : memref<64xi32, #tpu.memory_space<vmem>>, vector<16xi32>,
        }
        %scan3A_109 = arith.constant 4 : i32
        %dma_start3A_110 = arith.constant 0 : i32
        %dma_start3A_111 = arith.constant 0 : i32
        %dma_start3A_112 = arith.constant 0 : i32
        %dma_start3A_113 = tpu.memref_slice %arg2[%dma_start3A_110, %dma_start3A_111, %dma_start3A_112] : memref<10000x2x128xf32, #tpu.memory_space<hbm>> -> memref<10000x2x128xf32, #tpu.memory_space<hbm>>
        tpu.enqueue_indirect_dma source(%dma_start3A_113 : memref<10000x2x128xf32, #tpu.memory_space<hbm>>) target(%arg12 : memref<64x2x128xf32, #tpu.memory_space<vmem>>) offsets(%arg8 : memref<64xi32, #tpu.memory_space<vmem>>) semaphore(%arg15 : memref<!tpu.dma_semaphore, #tpu.memory_space<semaphore_mem>>)
      } else {
      }
      %dma_wait3A_99 = arith.constant 0 : i32
      %dma_wait3A_100 = arith.constant 0 : i32
      %dma_wait3A_101 = arith.constant 0 : i32
      %dma_wait3A_102 = tpu.memref_slice %arg2[%dma_wait3A_99, %dma_wait3A_100, %dma_wait3A_101] : memref<10000x2x128xf32, #tpu.memory_space<hbm>> -> memref<10000x2x128xf32, #tpu.memory_space<hbm>>
      tpu.wait_indirect_dma semaphore(%arg16 : memref<!tpu.dma_semaphore, #tpu.memory_space<semaphore_mem>>) src(%dma_wait3A_102 : memref<10000x2x128xf32, #tpu.memory_space<hbm>>) dst(%arg13 : memref<64x2x128xf32, #tpu.memory_space<vmem>>)
      "tpu.region"() ({
        %run_scoped3A = tpu.sem_alloc : memref<!tpu.dma_semaphore, #tpu.memory_space<semaphore_mem>>
        %dma_start3A_103 = arith.constant 0 : i32
        %dma_start3A_104 = arith.constant 0 : i32
        %dma_start3A_105 = arith.constant 0 : i32
        %dma_start3A_106 = tpu.memref_slice %arg14[%dma_start3A_103, %dma_start3A_104, %dma_start3A_105] : memref<5120x2x128xf32, #tpu.memory_space<vmem_shared>> -> memref<5120x2x128xf32, #tpu.memory_space<vmem_shared>>
        tpu.enqueue_indirect_dma source(%arg13 : memref<64x2x128xf32, #tpu.memory_space<vmem>>) target(%dma_start3A_106 : memref<5120x2x128xf32, #tpu.memory_space<vmem_shared>>) offsets(%arg11 : memref<64xi32, #tpu.memory_space<vmem>>) semaphore(%run_scoped3A : memref<!tpu.dma_semaphore, #tpu.memory_space<semaphore_mem>>) {add = true}
        %dma_wait3A_107 = arith.constant 0 : i32
        %dma_wait3A_108 = arith.constant 0 : i32
        %dma_wait3A_109 = arith.constant 0 : i32
        %dma_wait3A_110 = tpu.memref_slice %arg14[%dma_wait3A_107, %dma_wait3A_108, %dma_wait3A_109] : memref<5120x2x128xf32, #tpu.memory_space<vmem_shared>> -> memref<5120x2x128xf32, #tpu.memory_space<vmem_shared>>
        tpu.wait_indirect_dma semaphore(%run_scoped3A : memref<!tpu.dma_semaphore, #tpu.memory_space<semaphore_mem>>) src(%arg13 : memref<64x2x128xf32, #tpu.memory_space<vmem>>) dst(%dma_wait3A_110 : memref<5120x2x128xf32, #tpu.memory_space<vmem_shared>>)
        tpu.yield
      }) : () -> ()
    }
    %barrier3A_67 = arith.constant 0 : index
    tpu.barrier barrier_id(%barrier3A_67)
    %mul3A_68 = arith.constant 312 : i32
    %mul3A_69 = arith.muli %arg1, %mul3A_68 : i32
    %mul3A_70 = arith.constant 5000 : i32
    %mul3A_71 = arith.muli %arg0, %mul3A_70 : i32
    %mul3A_72 = arith.constant 312 : i32
    %mul3A_73 = arith.muli %arg1, %mul3A_72 : i32
    %add3A_74 = arith.addi %mul3A_71, %mul3A_73 : i32
    "tpu.region"() ({
      %run_scoped3A = tpu.sem_alloc : memref<!tpu.dma_semaphore, #tpu.memory_space<semaphore_mem>>
      %dma_start3A_77 = arith.constant 0 : i32
      %dma_start3A_78 = arith.constant 0 : i32
      %dma_start3A_79 = tpu.memref_slice %arg5[%add3A_74, %dma_start3A_77, %dma_start3A_78] : memref<10000x2x128xf32, #tpu.memory_space<hbm>> -> memref<312x2x128xf32, #tpu.memory_space<hbm>>
      %dma_start3A_80 = arith.constant 0 : i32
      %dma_start3A_81 = arith.constant 0 : i32
      %dma_start3A_82 = tpu.memref_slice %arg14[%mul3A_69, %dma_start3A_80, %dma_start3A_81] : memref<5120x2x128xf32, #tpu.memory_space<vmem_shared>> -> memref<312x2x128xf32, #tpu.memory_space<vmem_shared>>
      tpu.enqueue_dma source(%dma_start3A_82 : memref<312x2x128xf32, #tpu.memory_space<vmem_shared>>) target(%dma_start3A_79 : memref<312x2x128xf32, #tpu.memory_space<hbm>>) target_semaphore(%run_scoped3A : memref<!tpu.dma_semaphore, #tpu.memory_space<semaphore_mem>>)
      %dma_wait3A = arith.constant 0 : i32
      %dma_wait3A_83 = arith.constant 0 : i32
      %dma_wait3A_84 = tpu.memref_slice %arg5[%add3A_74, %dma_wait3A, %dma_wait3A_83] : memref<10000x2x128xf32, #tpu.memory_space<hbm>> -> memref<312x2x128xf32, #tpu.memory_space<hbm>>
      %dma_wait3A_85 = arith.constant 0 : i32
      %dma_wait3A_86 = arith.constant 0 : i32
      %dma_wait3A_87 = tpu.memref_slice %arg14[%mul3A_69, %dma_wait3A_85, %dma_wait3A_86] : memref<5120x2x128xf32, #tpu.memory_space<vmem_shared>> -> memref<312x2x128xf32, #tpu.memory_space<vmem_shared>>
      tpu.wait_dma2 semaphore(%run_scoped3A : memref<!tpu.dma_semaphore, #tpu.memory_space<semaphore_mem>>) src(%dma_wait3A_87 : memref<312x2x128xf32, #tpu.memory_space<vmem_shared>>) dst(%dma_wait3A_84 : memref<312x2x128xf32, #tpu.memory_space<hbm>>)
      tpu.yield
    }) : () -> ()
    %eq3A = arith.constant 0 : i32
    %eq3A_75 = arith.cmpi eq, %arg1, %eq3A : i32
    %convert_element_type3A = arith.extui %eq3A_75 : i1 to i32
    %cond3A = arith.constant 0 : i32
    %cond3A_76 = arith.cmpi ne, %convert_element_type3A, %cond3A : i32
    scf.if %cond3A_76 {
      %mul3A_77 = arith.constant 5000 : i32
      %mul3A_78 = arith.muli %arg0, %mul3A_77 : i32
      %add3A_79 = arith.constant 4992 : i32
      %add3A_80 = arith.addi %mul3A_78, %add3A_79 : i32
      "tpu.region"() ({
        %run_scoped3A = tpu.sem_alloc : memref<!tpu.dma_semaphore, #tpu.memory_space<semaphore_mem>>
        %dma_start3A_81 = arith.constant 0 : i32
        %dma_start3A_82 = arith.constant 0 : i32
        %dma_start3A_83 = tpu.memref_slice %arg5[%add3A_80, %dma_start3A_81, %dma_start3A_82] : memref<10000x2x128xf32, #tpu.memory_space<hbm>> -> memref<8x2x128xf32, #tpu.memory_space<hbm>>
        %dma_start3A_84 = arith.constant 4992 : i32
        %dma_start3A_85 = arith.constant 0 : i32
        %dma_start3A_86 = arith.constant 0 : i32
        %dma_start3A_87 = tpu.memref_slice %arg14[%dma_start3A_84, %dma_start3A_85, %dma_start3A_86] : memref<5120x2x128xf32, #tpu.memory_space<vmem_shared>> -> memref<8x2x128xf32, #tpu.memory_space<vmem_shared>>
        tpu.enqueue_dma source(%dma_start3A_87 : memref<8x2x128xf32, #tpu.memory_space<vmem_shared>>) target(%dma_start3A_83 : memref<8x2x128xf32, #tpu.memory_space<hbm>>) target_semaphore(%run_scoped3A : memref<!tpu.dma_semaphore, #tpu.memory_space<semaphore_mem>>)
        %dma_wait3A = arith.constant 0 : i32
        %dma_wait3A_88 = arith.constant 0 : i32
        %dma_wait3A_89 = tpu.memref_slice %arg5[%add3A_80, %dma_wait3A, %dma_wait3A_88] : memref<10000x2x128xf32, #tpu.memory_space<hbm>> -> memref<8x2x128xf32, #tpu.memory_space<hbm>>
        %dma_wait3A_90 = arith.constant 4992 : i32
        %dma_wait3A_91 = arith.constant 0 : i32
        %dma_wait3A_92 = arith.constant 0 : i32
        %dma_wait3A_93 = tpu.memref_slice %arg14[%dma_wait3A_90, %dma_wait3A_91, %dma_wait3A_92] : memref<5120x2x128xf32, #tpu.memory_space<vmem_shared>> -> memref<8x2x128xf32, #tpu.memory_space<vmem_shared>>
        tpu.wait_dma2 semaphore(%run_scoped3A : memref<!tpu.dma_semaphore, #tpu.memory_space<semaphore_mem>>) src(%dma_wait3A_93 : memref<8x2x128xf32, #tpu.memory_space<vmem_shared>>) dst(%dma_wait3A_89 : memref<8x2x128xf32, #tpu.memory_space<hbm>>)
        tpu.yield
      }) : () -> ()
    } else {
    }
    return
  }
}

#map = affine_map<(d0, d1) -> (0)>
module attributes {stable_mosaic.version = 14 : i64} {
  func.func @_part_body(%arg0: i32, %arg1: i32, %arg2: memref<160000xi32, #tpu.memory_space<hbm>>, %arg3: memref<327680xi32, #tpu.memory_space<hbm>>, %arg4: memref<512xi32, #tpu.memory_space<hbm>>, %arg5: memref<2000xi32, #tpu.memory_space<vmem>>, %arg6: memref<10240xi32, #tpu.memory_space<vmem>>, %arg7: memref<16xi32, #tpu.memory_space<vmem>>, %arg8: memref<!tpu.dma_semaphore, #tpu.memory_space<semaphore_mem>>) attributes {dimension_semantics = [#tpu.dimension_semantics<core_parallel>, #tpu.dimension_semantics<subcore_parallel>], iteration_bounds = array<i64: 2, 16>, scalar_prefetch = 0 : i64, scratch_operands = 4 : i64, tpu.core_type = #tpu.core_type<sc_vector_subcore>, window_params = [{transform_indices = #map}, {transform_indices = #map}, {transform_indices = #map}]} {
    %mul3A = arith.constant 16 : i32
    %mul3A_0 = arith.muli %arg0, %mul3A : i32
    %add3A = arith.addi %mul3A_0, %arg1 : i32
    %mul3A_1 = arith.constant 327680000 : i32
    %mul3A_2 = arith.muli %arg0, %mul3A_1 : i32
    %add3A_3 = arith.constant 327680000 : i32
    %add3A_4 = arith.addi %mul3A_2, %add3A_3 : i32
    %scan3A = arith.constant 0 : i32
    %scan3A_5 = arith.constant 0 : i32
    %scan3A_6 = arith.constant 5 : i32
    %scan3A_7 = arith.addi %scan3A_5, %scan3A_6 : i32
    %scan3A_8 = arith.constant 1 : i32
    %scan3A_9 = scf.for %scan3A_33 = %scan3A_5 to %scan3A_7 step %scan3A_8 iter_args(%scan3A_34 = %scan3A) -> (i32)  : i32 {
      %mul3A_35 = arith.constant 10000 : i32
      %mul3A_36 = arith.muli %arg1, %mul3A_35 : i32
      %mul3A_37 = arith.constant 2000 : i32
      %mul3A_38 = arith.muli %scan3A_33, %mul3A_37 : i32
      %add3A_39 = arith.addi %mul3A_36, %mul3A_38 : i32
      "tpu.region"() ({
        %run_scoped3A = tpu.sem_alloc : memref<!tpu.dma_semaphore, #tpu.memory_space<semaphore_mem>>
        %dma_start3A = tpu.memref_slice %arg2[%add3A_39] : memref<160000xi32, #tpu.memory_space<hbm>> -> memref<2000xi32, #tpu.memory_space<hbm>>
        %dma_start3A_46 = tpu.memref_slice %arg2[%add3A_39] : memref<160000xi32, #tpu.memory_space<hbm>> -> memref<2000xi32, #tpu.memory_space<hbm>>
        tpu.enqueue_dma source(%dma_start3A_46 : memref<2000xi32, #tpu.memory_space<hbm>>) target(%arg5 : memref<2000xi32, #tpu.memory_space<vmem>>) target_semaphore(%run_scoped3A : memref<!tpu.dma_semaphore, #tpu.memory_space<semaphore_mem>>)
        %dma_wait3A = tpu.memref_slice %arg2[%add3A_39] : memref<160000xi32, #tpu.memory_space<hbm>> -> memref<2000xi32, #tpu.memory_space<hbm>>
        %dma_wait3A_47 = tpu.memref_slice %arg2[%add3A_39] : memref<160000xi32, #tpu.memory_space<hbm>> -> memref<2000xi32, #tpu.memory_space<hbm>>
        tpu.wait_dma2 semaphore(%run_scoped3A : memref<!tpu.dma_semaphore, #tpu.memory_space<semaphore_mem>>) src(%dma_wait3A_47 : memref<2000xi32, #tpu.memory_space<hbm>>) dst(%arg5 : memref<2000xi32, #tpu.memory_space<vmem>>)
        tpu.yield
      }) : () -> ()
      %scan3A_40 = arith.constant 0 : i32
      %scan3A_41 = arith.constant 125 : i32
      %scan3A_42 = arith.addi %scan3A_40, %scan3A_41 : i32
      %scan3A_43 = arith.constant 1 : i32
      %scan3A_44 = scf.for %scan3A_46 = %scan3A_40 to %scan3A_42 step %scan3A_43 iter_args(%scan3A_47 = %scan3A_34) -> (i32)  : i32 {
        %mul3A_48 = arith.constant 16 : i32
        %mul3A_49 = arith.muli %scan3A_46, %mul3A_48 : i32
        %get3A = arith.index_cast %mul3A_49 : i32 to index
        %get3A_50 = tpu.vector_load %arg5[%get3A] {strides = array<i32>} : memref<2000xi32, #tpu.memory_space<vmem>>, vector<16xi32>,
        %ge3A = vector.broadcast %mul3A_2 : i32 to vector<16xi32>
        %ge3A_51 = arith.cmpi sge, %get3A_50, %ge3A : vector<16xi32>
        %lt3A = vector.broadcast %add3A_4 : i32 to vector<16xi32>
        %lt3A_52 = arith.cmpi slt, %get3A_50, %lt3A : vector<16xi32>
        %and3A = arith.andi %ge3A_51, %lt3A_52 : vector<16xi1>
        %swap3A_53 = arith.index_cast %scan3A_47 : i32 to index
        %swap3A_54 = tpu.vector_load %arg6[%swap3A_53] masked %and3A {strides = array<i32>} : memref<10240xi32, #tpu.memory_space<vmem>>, vector<16xi32>, vector<16xi1>
        tpu.vector_store %arg6[%swap3A_53], %get3A_50 masked %and3A {strides = array<i32>} : memref<10240xi32, #tpu.memory_space<vmem>>, vector<16xi32>, vector<16xi1>
        %all_reduce_population_count3A = tpu.all_reduce %and3A {dim = 0 : i64, kind = #tpu.reduction_kind<sum>} : vector<16xi1> -> vector<16xi32>
        %reduce_max3A = arith.constant true
        %reduce_max3A_55 = vector.broadcast %reduce_max3A : i1 to vector<16xi1>
        %reduce_max3A_56 = arith.constant -2147483648 : i32
        %reduce_max3A_57 = vector.broadcast %reduce_max3A_56 : i32 to vector<16xi32>
        %reduce_max3A_58 = arith.xori %all_reduce_population_count3A, %reduce_max3A_57 : vector<16xi32>
        %reduce_max3A_59 = tpu.scan <max>, %reduce_max3A_58 masked %reduce_max3A_55 : vector<16xi32>, vector<16xi1> -> vector<16xi32>
        %reduce_max3A_60 = arith.xori %reduce_max3A_59, %reduce_max3A_57 : vector<16xi32>
        %reduce_max3A_61 = vector.extract %reduce_max3A_60[15] : i32 from vector<16xi32>
        %add3A_62 = arith.addi %scan3A_47, %reduce_max3A_61 : i32
        scf.yield %add3A_62 : i32
      }
      %scan3A_45 = arith.constant 125 : i32
      scf.yield %scan3A_44 : i32
    }
    %scan3A_10 = arith.constant 5 : i32
    %broadcast_in_dim3A = arith.constant 0 : i32
    %broadcast_in_dim3A_11 = vector.broadcast %broadcast_in_dim3A : i32 to vector<16xi32>
    %mul3A_12 = arith.constant 5000 : i32
    %mul3A_13 = arith.muli %arg0, %mul3A_12 : i32
    %add3A_14 = arith.constant 5000 : i32
    %add3A_15 = arith.addi %mul3A_13, %add3A_14 : i32
    %shift_left3A = arith.constant 16 : i32
    %shift_left3A_16 = arith.shli %add3A_15, %shift_left3A : i32
    %add3A_17 = vector.broadcast %shift_left3A_16 : i32 to vector<16xi32>
    %add3A_18 = arith.addi %broadcast_in_dim3A_11, %add3A_17 : vector<16xi32>
    %scan3A_19 = arith.constant 0 : i32
    %scan3A_20 = arith.constant 8 : i32
    %scan3A_21 = arith.addi %scan3A_19, %scan3A_20 : i32
    %scan3A_22 = arith.constant 1 : i32
    scf.for %scan3A_33 = %scan3A_19 to %scan3A_21 step %scan3A_22  : i32 {
      %mul3A_34 = arith.constant 16 : i32
      %mul3A_35 = arith.muli %scan3A_33, %mul3A_34 : i32
      %add3A_36 = arith.constant 0 : i32
      %add3A_37 = arith.addi %add3A_36, %mul3A_35 : i32
      %add3A_38 = arith.addi %scan3A_9, %add3A_37 : i32
      %swap3A_39 = arith.index_cast %add3A_38 : i32 to index
      %swap3A_40 = tpu.vector_load %arg6[%swap3A_39] {strides = array<i32>} : memref<10240xi32, #tpu.memory_space<vmem>>, vector<16xi32>,
      tpu.vector_store %arg6[%swap3A_39], %add3A_18 {strides = array<i32>} : memref<10240xi32, #tpu.memory_space<vmem>>, vector<16xi32>,
    }
    %scan3A_23 = arith.constant 8 : i32
    %broadcast_in_dim3A_24 = arith.constant 0 : i32
    %broadcast_in_dim3A_25 = vector.broadcast %broadcast_in_dim3A_24 : i32 to vector<16xi32>
    %add3A_26 = vector.broadcast %scan3A_9 : i32 to vector<16xi32>
    %add3A_27 = arith.addi %broadcast_in_dim3A_25, %add3A_26 : vector<16xi32>
    %swap3A = arith.constant 0 : index
    %swap3A_28 = tpu.vector_load %arg7[%swap3A] {strides = array<i32>} : memref<16xi32, #tpu.memory_space<vmem>>, vector<16xi32>,
    tpu.vector_store %arg7[%swap3A], %add3A_27 {strides = array<i32>} : memref<16xi32, #tpu.memory_space<vmem>>, vector<16xi32>,
    %mul3A_29 = arith.constant 10240 : i32
    %mul3A_30 = arith.muli %add3A, %mul3A_29 : i32
    "tpu.region"() ({
      %run_scoped3A = tpu.sem_alloc : memref<!tpu.dma_semaphore, #tpu.memory_space<semaphore_mem>>
      %dma_start3A = tpu.memref_slice %arg3[%mul3A_30] : memref<327680xi32, #tpu.memory_space<hbm>> -> memref<10240xi32, #tpu.memory_space<hbm>>
      %dma_start3A_33 = tpu.memref_slice %arg3[%mul3A_30] : memref<327680xi32, #tpu.memory_space<hbm>> -> memref<10240xi32, #tpu.memory_space<hbm>>
      tpu.enqueue_dma source(%arg6 : memref<10240xi32, #tpu.memory_space<vmem>>) target(%dma_start3A_33 : memref<10240xi32, #tpu.memory_space<hbm>>) target_semaphore(%run_scoped3A : memref<!tpu.dma_semaphore, #tpu.memory_space<semaphore_mem>>)
      %dma_wait3A = tpu.memref_slice %arg3[%mul3A_30] : memref<327680xi32, #tpu.memory_space<hbm>> -> memref<10240xi32, #tpu.memory_space<hbm>>
      %dma_wait3A_34 = tpu.memref_slice %arg3[%mul3A_30] : memref<327680xi32, #tpu.memory_space<hbm>> -> memref<10240xi32, #tpu.memory_space<hbm>>
      tpu.wait_dma2 semaphore(%run_scoped3A : memref<!tpu.dma_semaphore, #tpu.memory_space<semaphore_mem>>) src(%arg6 : memref<10240xi32, #tpu.memory_space<vmem>>) dst(%dma_wait3A_34 : memref<10240xi32, #tpu.memory_space<hbm>>)
      tpu.yield
    }) : () -> ()
    %mul3A_31 = arith.constant 16 : i32
    %mul3A_32 = arith.muli %add3A, %mul3A_31 : i32
    "tpu.region"() ({
      %run_scoped3A = tpu.sem_alloc : memref<!tpu.dma_semaphore, #tpu.memory_space<semaphore_mem>>
      %dma_start3A = tpu.memref_slice %arg4[%mul3A_32] : memref<512xi32, #tpu.memory_space<hbm>> -> memref<16xi32, #tpu.memory_space<hbm>>
      %dma_start3A_33 = tpu.memref_slice %arg4[%mul3A_32] : memref<512xi32, #tpu.memory_space<hbm>> -> memref<16xi32, #tpu.memory_space<hbm>>
      tpu.enqueue_dma source(%arg7 : memref<16xi32, #tpu.memory_space<vmem>>) target(%dma_start3A_33 : memref<16xi32, #tpu.memory_space<hbm>>) target_semaphore(%run_scoped3A : memref<!tpu.dma_semaphore, #tpu.memory_space<semaphore_mem>>)
      %dma_wait3A = tpu.memref_slice %arg4[%mul3A_32] : memref<512xi32, #tpu.memory_space<hbm>> -> memref<16xi32, #tpu.memory_space<hbm>>
      %dma_wait3A_34 = tpu.memref_slice %arg4[%mul3A_32] : memref<512xi32, #tpu.memory_space<hbm>> -> memref<16xi32, #tpu.memory_space<hbm>>
      tpu.wait_dma2 semaphore(%run_scoped3A : memref<!tpu.dma_semaphore, #tpu.memory_space<semaphore_mem>>) src(%arg7 : memref<16xi32, #tpu.memory_space<vmem>>) dst(%dma_wait3A_34 : memref<16xi32, #tpu.memory_space<hbm>>)
      tpu.yield
    }) : () -> ()
    return
  }
}

module attributes {stable_mosaic.version = 14 : i64} {
  func.func @_pre_body(%arg0: i32, %arg1: memref<1000x256xf32, #tpu.memory_space<vmem>>, %arg2: memref<256x256xf32, #tpu.memory_space<vmem>>, %arg3: memref<1x256xf32, #tpu.memory_space<vmem>>, %arg4: memref<1000x2x128xf32, #tpu.memory_space<vmem>>) attributes {dimension_semantics = [#tpu.dimension_semantics<arbitrary>], iteration_bounds = array<i64: 10>, scalar_prefetch = 0 : i64, scratch_operands = 0 : i64, tpu.core_type = #tpu.core_type<tc>, window_params = [{transform_indices = @transform_0, window_bounds = array<i64: 1000, 256>}, {pipeline_mode = #tpu.pipeline_mode<synchronous>, transform_indices = @transform_1, window_bounds = array<i64: 256, 256>}, {pipeline_mode = #tpu.pipeline_mode<synchronous>, transform_indices = @transform_2, window_bounds = array<i64: 1, 256>}, {transform_indices = @transform_3, window_bounds = array<i64: 1000, 2, 128>}]} {
    %get3A = arith.constant 0 : index
    %get3A_0 = arith.constant 0 : index
    %get3A_1 = vector.load %arg1[%get3A, %get3A_0] : memref<1000x256xf32, #tpu.memory_space<vmem>>, vector<1000x256xf32>
    %mul3A = arith.mulf %get3A_1, %get3A_1 : vector<1000x256xf32>
    %reduce_sum3A = arith.constant dense<0.000000e+00> : vector<1000xf32>
    %reduce_sum3A_2 = vector.multi_reduction <add>, %mul3A, %reduce_sum3A [1] : vector<1000x256xf32> to vector<1000xf32>
    %broadcast_in_dim3A = vector.shape_cast %reduce_sum3A_2 : vector<1000xf32> to vector<1000x1xf32>
    %sqrt3A = math.sqrt %broadcast_in_dim3A : vector<1000x1xf32>
    %max3A = arith.constant 1.000000e-15 : f32
    %max3A_3 = vector.broadcast %max3A : f32 to vector<1000x1xf32>
    %max3A_4 = arith.maximumf %sqrt3A, %max3A_3 : vector<1000x1xf32>
    %jit3A = arith.constant -0.999989986 : f32
    %jit3A_5 = arith.constant 0.999989986 : f32
    %max3A_6 = vector.broadcast %jit3A : f32 to vector<1000x1xf32>
    %max3A_7 = arith.maximumf %max3A_6, %max3A_4 : vector<1000x1xf32>
    %min3A = vector.broadcast %jit3A_5 : f32 to vector<1000x1xf32>
    %min3A_8 = arith.minimumf %min3A, %max3A_7 : vector<1000x1xf32>
    %log1p3A = math.log1p %min3A_8 : vector<1000x1xf32>
    %neg3A = arith.constant 0.000000e+00 : f32
    %neg3A_9 = vector.broadcast %neg3A : f32 to vector<1000x1xf32>
    %neg3A_10 = arith.subf %neg3A_9, %min3A_8 : vector<1000x1xf32>
    %log1p3A_11 = math.log1p %neg3A_10 : vector<1000x1xf32>
    %sub3A = arith.subf %log1p3A, %log1p3A_11 : vector<1000x1xf32>
    %mul3A_12 = arith.constant 5.000000e-01 : f32
    %mul3A_13 = vector.broadcast %mul3A_12 : f32 to vector<1000x1xf32>
    %mul3A_14 = arith.mulf %mul3A_13, %sub3A : vector<1000x1xf32>
    %div3A = arith.divf %mul3A_14, %max3A_4 : vector<1000x1xf32>
    %mul3A_15 = vector.broadcast %div3A : vector<1000x1xf32> to vector<1000x256xf32>
    %mul3A_16 = arith.mulf %get3A_1, %mul3A_15 : vector<1000x256xf32>
    %get3A_17 = arith.constant 0 : index
    %get3A_18 = arith.constant 0 : index
    %get3A_19 = vector.load %arg2[%get3A_17, %get3A_18] : memref<256x256xf32, #tpu.memory_space<vmem>>, vector<256x256xf32>
    %dot_general3A = arith.constant dense<0.000000e+00> : vector<1000x256xf32>
    %dot_general3A_20 = tpu.matmul %mul3A_16, %get3A_19, %dot_general3A {dimension_numbers = #tpu.dot_dimension_numbers<[1], [0], [0], [1], [0, 0, 1, 1], [], []>, transpose_lhs_hint = false} : vector<1000x256xf32>, vector<256x256xf32>, vector<1000x256xf32> -> vector<1000x256xf32>
    %get3A_21 = arith.constant 0 : index
    %get3A_22 = arith.constant 0 : index
    %get3A_23 = vector.load %arg3[%get3A_21, %get3A_22] : memref<1x256xf32, #tpu.memory_space<vmem>>, vector<1x256xf32>
    %add3A = vector.broadcast %get3A_23 : vector<1x256xf32> to vector<1000x256xf32>
    %add3A_24 = arith.addf %dot_general3A_20, %add3A : vector<1000x256xf32>
    %reshape3A = vector.shape_cast %add3A_24 : vector<1000x256xf32> to vector<1000x2x128xf32>
    %swap3A = arith.constant 0 : index
    %swap3A_25 = arith.constant 0 : index
    %swap3A_26 = arith.constant 0 : index
    %swap3A_27 = vector.load %arg4[%swap3A, %swap3A_25, %swap3A_26] : memref<1000x2x128xf32, #tpu.memory_space<vmem>>, vector<1000x2x128xf32>
    tpu.vector_store %arg4[%swap3A, %swap3A_25, %swap3A_26], %reshape3A {strides = array<i32>} : memref<1000x2x128xf32, #tpu.memory_space<vmem>>, vector<1000x2x128xf32>,
    return
  }
  func.func @transform_0(%arg0: i32) -> (i32, i32) {
    %c0_i32 = arith.constant 0 : i32
    %c0_i32_0 = arith.constant 0 : i32
    return %arg0, %c0_i32 : i32, i32
  }
  func.func @transform_1(%arg0: i32) -> (i32, i32) {
    %c0_i32 = arith.constant 0 : i32
    %c0_i32_0 = arith.constant 0 : i32
    %c0_i32_1 = arith.constant 0 : i32
    return %c0_i32, %c0_i32_0 : i32, i32
  }
  func.func @transform_2(%arg0: i32) -> (i32, i32) {
    %c0_i32 = arith.constant 0 : i32
    %c0_i32_0 = arith.constant 0 : i32
    %c0_i32_1 = arith.constant 0 : i32
    return %c0_i32, %c0_i32_0 : i32, i32
  }
  func.func @transform_3(%arg0: i32) -> (i32, i32, i32) {
    %c0_i32 = arith.constant 0 : i32
    %c0_i32_0 = arith.constant 0 : i32
    %c0_i32_1 = arith.constant 0 : i32
    return %arg0, %c0_i32, %c0_i32_0 : i32, i32, i32
  }
}

module attributes {stable_mosaic.version = 14 : i64} {
  func.func @_post_body(%arg0: i32, %arg1: memref<1000x2x128xf32, #tpu.memory_space<vmem>>, %arg2: memref<1000x256xf32, #tpu.memory_space<vmem>>) attributes {dimension_semantics = [#tpu.dimension_semantics<arbitrary>], iteration_bounds = array<i64: 10>, scalar_prefetch = 0 : i64, scratch_operands = 0 : i64, tpu.core_type = #tpu.core_type<tc>, window_params = [{transform_indices = @transform_0, window_bounds = array<i64: 1000, 2, 128>}, {transform_indices = @transform_1, window_bounds = array<i64: 1000, 256>}]} {
    %get3A = arith.constant 0 : index
    %get3A_0 = arith.constant 0 : index
    %get3A_1 = arith.constant 0 : index
    %get3A_2 = vector.load %arg1[%get3A, %get3A_0, %get3A_1] : memref<1000x2x128xf32, #tpu.memory_space<vmem>>, vector<1000x2x128xf32>
    %reshape3A = vector.shape_cast %get3A_2 : vector<1000x2x128xf32> to vector<1000x256xf32>
    %max3A = arith.constant 0.000000e+00 : f32
    %max3A_3 = vector.broadcast %max3A : f32 to vector<1000x256xf32>
    %max3A_4 = arith.maximumf %reshape3A, %max3A_3 : vector<1000x256xf32>
    %mul3A = arith.mulf %max3A_4, %max3A_4 : vector<1000x256xf32>
    %reduce_sum3A = arith.constant dense<0.000000e+00> : vector<1000xf32>
    %reduce_sum3A_5 = vector.multi_reduction <add>, %mul3A, %reduce_sum3A [1] : vector<1000x256xf32> to vector<1000xf32>
    %broadcast_in_dim3A = vector.shape_cast %reduce_sum3A_5 : vector<1000xf32> to vector<1000x1xf32>
    %sqrt3A = math.sqrt %broadcast_in_dim3A : vector<1000x1xf32>
    %max3A_6 = arith.constant 1.000000e-15 : f32
    %max3A_7 = vector.broadcast %max3A_6 : f32 to vector<1000x1xf32>
    %max3A_8 = arith.maximumf %sqrt3A, %max3A_7 : vector<1000x1xf32>
    %tanh3A = math.tanh %max3A_8 : vector<1000x1xf32>
    %mul3A_9 = vector.broadcast %tanh3A : vector<1000x1xf32> to vector<1000x256xf32>
    %mul3A_10 = arith.mulf %mul3A_9, %max3A_4 : vector<1000x256xf32>
    %div3A = vector.broadcast %max3A_8 : vector<1000x1xf32> to vector<1000x256xf32>
    %div3A_11 = arith.divf %mul3A_10, %div3A : vector<1000x256xf32>
    %max3A_12 = arith.constant 0.000000e+00 : f32
    %max3A_13 = vector.broadcast %max3A_12 : f32 to vector<1000x256xf32>
    %max3A_14 = arith.maximumf %div3A_11, %max3A_13 : vector<1000x256xf32>
    %swap3A = arith.constant 0 : index
    %swap3A_15 = arith.constant 0 : index
    %swap3A_16 = vector.load %arg2[%swap3A, %swap3A_15] : memref<1000x256xf32, #tpu.memory_space<vmem>>, vector<1000x256xf32>
    tpu.vector_store %arg2[%swap3A, %swap3A_15], %max3A_14 {strides = array<i32>} : memref<1000x256xf32, #tpu.memory_space<vmem>>, vector<1000x256xf32>,
    return
  }
  func.func @transform_0(%arg0: i32) -> (i32, i32, i32) {
    %c0_i32 = arith.constant 0 : i32
    %c0_i32_0 = arith.constant 0 : i32
    %c0_i32_1 = arith.constant 0 : i32
    return %arg0, %c0_i32, %c0_i32_0 : i32, i32, i32
  }
  func.func @transform_1(%arg0: i32) -> (i32, i32) {
    %c0_i32 = arith.constant 0 : i32
    %c0_i32_0 = arith.constant 0 : i32
    return %arg0, %c0_i32 : i32, i32
  }
}

</mosaic_0001>

<sc_bundles>
// kernel: kernel.6.cloned.1.call-start
scs
__scs_entry_jumppad:
0x0: {  	(pc) =	sbr.rel $0x88, $3  }
0x1: {  	(tag) =	ssettag $0x0;
	lr =	simm.s32 $0x1  }
0x2: {  	[smem:$0x3F9D] =	sst lr;
	_ =	strace $0xD0000000  }
0x3: {  	_ = 	snop  }
0x4: {  	_ = 	snop  }
0x5: {  	_ = 	snop  }
0x6: {  	_ = 	snop  }
0x7: {  	_ = 	snop  }
__scs_overlays_trampoline_lowered:
0x8: {  	[smem:$0x3FAC] =	sst s0  }
0x9: {  	[smem:$0x3FAD] =	sst s1  }
0xa: {  	[smem:$0x3FAE] =	sst s2  }
0xb: {  	[smem:$0x3FAF] =	sst s3  }
0xc: {  	[smem:$0x3FB0] =	sst s4  }
0xd: {  	[smem:$0x3FB1] =	sst s5  }
0xe: {  	[smem:$0x3FB2] =	sst s6  }
0xf: {  	[smem:$0x3FB3] =	sst s7  }
0x10: {  	[smem:$0x3FB4] =	sst s8  }
0x11: {  	[smem:$0x3FB5] =	sst s9;
	s0 =	simm.s32 @!p0 $0x0  }
0x12: {  	s1 =	sld [smem:$0x3F9B];
	s0 =	simm.s32 @p0 $0x1  }
0x13: {  	[smem:$0x3FB6] =	sst s0;
	s0 =	simm.s32 @!p1 $0x0  }
0x14: {  	s2 =	sld [smem:$0x3F9A];
	s0 =	simm.s32 @p1 $0x1  }
0x15: {  	[smem:$0x3FB7] =	sst s0;
	s0 =	simm.s32 @!p2 $0x0  }
0x16: {  	s3 =	sld [smem:$0x3FDB];
	s0 =	simm.s32 @p2 $0x1  }
0x17: {  	s4 =	simm.s32 $0x1BF5;
	[smem:$0x3FB9] =	sst s0  }
0x18: {  	s0 =	sld [smem:$0x3F9C];
	_ =	swait.ge [sflag:s4], $0x0  }
0x19: {  	s7 =	sld [smem:$0x3F9D]  }
0x1a: {  	s8 =	sadd.s32 $0xFFFFE003, lr  }
0x1b: {  	s9 =	sadd.s32 $0xFFFFFEF7, lr;
	s5 =	simm.s32 $0xFFFFFFFF;
	p2 =	slt.u32 s8, $0xFFFFF086  }
0x1c: {  	p1 =	slt.u32 s9, $0xF7A;
	s5 =	simm.s32 @!p2 $0x0  }
0x1d: {  	s5 =	simm.s32 @p1 $0x1;
	p0 =	seq.s32 s7, s2  }
0x1e: {  	s7 =	smul.u32 @!p0 $0xF7A, s2;
	p2 =	seq.s32 @!p0 s5, $0x0  }
0x1f: {  	s9 =	smul.u32 $0xF7A, s1;
	s8 =	simm.s32 @!p0 $0x1BF5;
	p2 =	por !p2, p0  }
0x20: {  	[sflag:s8] =	ssyncset.s32 @!p0 $0xFFFFF086;
	s6 =	sadd.s32 @!p0 s3, s7;
	s7 =	simm.s32 @!p0 $0x108  }
0x21: {  	s3 =	sadd.s32 s3, s9;
	s6 =	sadd.s32 @!p0 $0x88, s6;
	s7 =	simm.s32 @p2 $0x1082  }
0x22: {  	[simem:s7], [sflag:s8] =	dma.local @!p0 [hbm:s6], $0xF7A  }
0x23: {  	s9 =	sor.u32 $0xD0000000, s2;
	s6 =	simm.s32 $0x108;
	_ =	swait.ge @!p0 [sflag:s8], $0x0  }
0x24: {  	s3 =	sadd.s32 $0x88, s3;
	s6 =	simm.s32 @!p1 $0x1082;
	[sflag:s4] =	ssyncset.s32 $0xFFFFF086  }
0x25: {  	[simem:s6], [sflag:s4] =	dma.local [hbm:s3], $0xF7A  }
0x26: {  	[smem:$0x3F9D] =	sst s1;
	(tag) =	ssettag s2;
	_ =	strace s9  }
0x27: {  	s1 =	sld [smem:$0x3FAD]  }
0x28: {  	s2 =	sld [smem:$0x3FAE]  }
0x29: {  	s4 =	sld [smem:$0x3FB0]  }
0x2a: {  	p0 =	seq.s32 s5, $0x0;
	s5 =	sld [smem:$0x3FB1]  }
0x2b: {  	s6 =	sld [smem:$0x3FB2]  }
0x2c: {  	s7 =	sld [smem:$0x3FB3]  }
0x2d: {  	s3 =	simm.s32 $0x108;
	s8 =	sld [smem:$0x3FB4]  }
0x2e: {  	s3 =	simm.s32 @!p0 $0x1082;
	s9 =	sld [smem:$0x3FB5]  }
0x2f: {  	lr =	sadd.s32 s0, s3;
	s0 =	sld [smem:$0x3FAC]  }
0x30: {  	s3 =	sld [smem:$0x3FAF]  }
0x31: {  	[smem:$0x3FB8] =	sst s10  }
0x32: {  	s10 =	sld [smem:$0x3FB6];
	_ =	sdelay $0x3  }
0x33: {  	p0 =	seq.s32 s10, $0x1;
	s10 =	sld [smem:$0x3FB8];
	_ =	sdelay $0x3  }
0x34: {  	[smem:$0x3FB8] =	sst s10  }
0x35: {  	s10 =	sld [smem:$0x3FB7];
	_ =	sdelay $0x3  }
0x36: {  	p1 =	seq.s32 s10, $0x1;
	s10 =	sld [smem:$0x3FB8];
	_ =	sdelay $0x3  }
0x37: {  	[smem:$0x3FB8] =	sst s10  }
0x38: {  	s10 =	sld [smem:$0x3FB9]  }
0x39: {  	_ = 	snop;
	(pc) =	sbr.ind lr, $3  }
0x3a: {  	_ = 	snop  }
0x3b: {  	_ = 	snop  }
0x3c: {  	p2 =	seq.s32 s10, $0x1;
	s10 =	sld [smem:$0x3FB8]  }
0x3d: {  	_ =	shalt  }
0x3e: {  	_ =	shalt  }
0x3f: {  	_ =	shalt  }
0x40: {  	_ =	shalt  }
0x41: {  	_ =	shalt  }
0x42: {  	_ =	shalt  }
0x43: {  	_ =	shalt  }
0x44: {  	_ =	shalt  }
0x45: {  	_ =	shalt  }
0x46: {  	_ =	shalt  }
0x47: {  	_ =	shalt  }
0x48: {  	_ =	shalt  }
0x49: {  	_ =	shalt  }
0x4a: {  	_ =	shalt  }
0x4b: {  	_ =	shalt  }
0x4c: {  	_ =	shalt  }
0x4d: {  	_ =	shalt  }
0x4e: {  	_ =	shalt  }
0x4f: {  	_ =	shalt  }
0x50: {  	_ =	shalt  }
0x51: {  	_ =	shalt  }
0x52: {  	_ =	shalt  }
0x53: {  	_ =	shalt  }
0x54: {  	_ =	shalt  }
0x55: {  	_ =	shalt  }
0x56: {  	_ =	shalt  }
0x57: {  	_ =	shalt  }
0x58: {  	_ =	shalt  }
0x59: {  	_ =	shalt  }
0x5a: {  	_ =	shalt  }
0x5b: {  	_ =	shalt  }
0x5c: {  	_ =	shalt  }
0x5d: {  	_ =	shalt  }
0x5e: {  	_ =	shalt  }
0x5f: {  	_ =	shalt  }
0x60: {  	_ =	shalt  }
0x61: {  	_ =	shalt  }
0x62: {  	_ =	shalt  }
0x63: {  	_ =	shalt  }
0x64: {  	_ =	shalt  }
0x65: {  	_ =	shalt  }
0x66: {  	_ =	shalt  }
0x67: {  	_ =	shalt  }
0x68: {  	_ =	shalt  }
0x69: {  	_ =	shalt  }
0x6a: {  	_ =	shalt  }
0x6b: {  	_ =	shalt  }
0x6c: {  	_ =	shalt  }
0x6d: {  	_ =	shalt  }
0x6e: {  	_ =	shalt  }
0x6f: {  	_ =	shalt  }
0x70: {  	_ =	shalt  }
0x71: {  	_ =	shalt  }
0x72: {  	_ =	shalt  }
0x73: {  	_ =	shalt  }
0x74: {  	_ =	shalt  }
0x75: {  	_ =	shalt  }
0x76: {  	_ =	shalt  }
0x77: {  	_ =	shalt  }
0x78: {  	_ =	shalt  }
0x79: {  	_ =	shalt  }
0x7a: {  	_ =	shalt  }
0x7b: {  	_ =	shalt  }
0x7c: {  	_ =	shalt  }
0x7d: {  	_ =	shalt  }
0x7e: {  	_ =	shalt  }
0x7f: {  	_ =	shalt  }
0x80: {  	_ =	shalt  }
0x81: {  	_ =	shalt  }
0x82: {  	_ =	shalt  }
0x83: {  	_ =	shalt  }
0x84: {  	_ =	shalt  }
0x85: {  	_ =	shalt  }
0x86: {  	_ =	shalt  }
0x87: {  	_ =	shalt  }
.Lfunc_end0:
.L_simem_size_0:
called_computation_lowered:
.L_overlay_start_0:
0x88: {  	s2 =	sld [smem:$0x3FD9]  }
0x89: {  	s3 =	sld [smem:$0x3FFE];
	_ =	sdelay $0x1  }
0x8a: {  	s1 =	srdreg.scid  }
0x8b: {  	s0 =	sand.u32 $0x1, s1  }
0x8c: {  	s16 =	sshll.u32 s0, $0xA;
	s2 =	sadd.s32 s3, s2  }
0x8d: {  	s2 =	sadd.s32 s2, s16  }
0x8e: {  	[smem:$0x3FC4] =	sst s2  }
0x8f: {  	_ = 	snop  }
0x90: {  	(tm) =	ssettm $0x1  }
0x91: {  	s17 =	sld [smem:$0x3FFB];
	_ =	sdelay $0x3  }
0x92: {  	_ =	strace s17  }
0x93: {  	s2 =	sld [smem:$0x3FFC];
	_ =	sdelay $0x3  }
0x94: {  	_ =	strace s2  }
0x95: {  	s2 =	sld [smem:$0x3FFD];
	_ =	sdelay $0x3  }
0x96: {  	_ =	strace s2  }
0x97: {  	_ =	strace $0x8FFFFFFF  }
0x98: {  	s18 =	sld [smem:$0x3FDB];
	_ =	sdelay $0x1  }
0x99: {  	s19 =	simm.s32 $_scs_section_size  }
0x9a: {  	s4 =	simm.s32 $_size__tile_overlayer_lowered;
	s5 =	simm.s32 $_tile_overlayer_lowered  }
0x9b: {  	s22 =	simm.s32 $0x1BFF;
	s21 =	sshll.u32 s5, $0x1;
	s2 =	sadd.s32 s19, s18  }
0x9c: {  	s6 =	simm.s32 $0x0;
	s20 =	sshll.u32 s4, $0x1;
	s4 =	sadd.s32 s21, s2  }
0x9d: {  	[timem:s6], [sflag:s22] =	dma.local [hbm:s4], s20  }
0x9e: {  	_ =	swait.ge [sflag:s22], s20  }
0x9f: {  	s3 =	ssub.s32 $0x0, s20;
	[sflag:s22] =	ssyncset.done $0x0  }
0xa0: {  	[sflag:s22] =	ssyncadd.s32 s3;
	_ =	sdelay $0x1  }
0xa1: {  	s23 =	simm.s32 $0x1B8B  }
0xa2: {  	_ =	swait.ge [sflag:s23], $0x1  }
0xa3: {  	[sflag:s23] =	ssyncset.done $0x0  }
0xa4: {  	s25 =	simm.s32 $0x1B8E;
	s24 =	sld [smem:$0x3FFE];
	[sflag:s23] =	ssyncadd.s32 $0xFFFFFFFF  }
0xa5: {  	s26 =	simm.s32 $execute0_lowered;
	[smem:$0x3FD2] =	sst s25  }
0xa6: {  	s4 =	sshll.u32 s26, $0x1;
	_ =	strace $0x80000046;
	[dreg:$0x1] =	wrdreg $0xFFFFFFFF  }
0xa7: {  	s28 =	simm.s32 $_size_execute0_lowered;
	s2 =	sadd.s32 s2, s4;
	[dreg:$0x0] =	wrdreg $0x0  }
0xa8: {  	s4 =	sshll.u32 s28, $0x1;
	[dreg:$0x2] =	wrdreg s2  }
0xa9: {  	[dreg:$0x3] =	wrdreg s4  }
0xaa: {  	[dreg:$0x4] =	wrdreg $0xC0  }
0xab: {  	_ =	task [dreg:s6], $0x5FFFF  }
0xac: {  	[dreg:$0x1] =	wrdreg $0xFFFFFFFF  }
0xad: {  	[dreg:$0x0] =	wrdreg $0x60  }
0xae: {  	[dreg:$0x2] =	wrdreg s24  }
0xaf: {  	[dreg:$0x3] =	wrdreg $0x9  }
0xb0: {  	_ =	task.clear_ibuf [dreg:s6], $0x4FFFF;
	_ =	strace $0x90000046  }
0xb1: {  	s29 =	simm.s32 $0x9;
	_ =	strace $0x80000048  }
0xb2: {  	_ =	swait.ge [sflag:s29], $0x1  }
0xb3: {  	[sflag:s29] =	ssyncadd.s32 $0xFFFFFFFF  }
0xb4: {  	_ =	strace $0x90000048  }
0xb5: {  	_ =	sfence  }
0xb6: {  	s30 =	sld [smem:$0x0];
	_ =	sdelay $0x2  }
0xb7: {  	s31 =	sshll.u32 s1, $0xD;
	s1 =	sshrl.u32 s1, $0x2  }
0xb8: {  	s3 =	sand.u32 $0x4000, s31;
	s1 =	sadd.s32 s1, s30  }
0xb9: {  	s0 =	sor.u32 s3, s0;
	s1 =	sshll.u32 s1, $0x11  }
0xba: {  	s0 =	sor.u32 s1, s0  }
0xbb: {  	s0 =	sadd.s32 $0x8F2B, s0  }
0xbc: {  	[sflag:s0] =	ssyncadd.remote.s32 $0x1  }
0xbd: {  	_ =	sfence.sel $0xFFFF  }
0xbe: {  	[dreg:$0x0] =	wrdreg $0xFFFFFFFF;
	(pc) =	sbr.abs _section_cstart, $3  }
0xbf: {  	[dreg:$0x1] =	wrdreg $0xFFFFFFFF  }
0xc0: {  	_ =	task.clear_ibuf [dreg:s6], $0x2FFFF;
	_ =	strace $0x9FFFFFFF  }
0xc1: {  	(tm) =	ssettm $0x7FFFFFFF  }
tec
execute0_lowered:
.L_overlay_start_1:
0x0: {  	(tag) =	ssettag $0x1  }
0x1: {  	s3 =	rddreg [dreg:$0x0];
	s2 =	srdreg.scid  }
0x2: {  	s0 =	rddreg [dreg:$0x1];
	s1 =	stileid.u32  }
0x3: {  	s11 =	simm.s32 $0x1;
	s14 =	simm.s32 $0x0;
	s4 =	sand.u32 $0x1, s2  }
0x4: {  	s2 =	simm.s32 $0x0;
	s5 =	smul.u32 $0x2710, s1;
	s6 =	sshll.u32 s4, $0x4  }
0x5: {  	[smem:$0x7FF] =	sst s2;
	s29 =	ssub.s32 $0x2, s4;
	s12 =	smul.u32 $0x13880000, s4  }
0x6: {  	s6 =	sor.u32 s1, s6;
	_ =	strace $0x80000047;
	s5 =	sshrl.u32 s5, $0x3  }
0x7: {  	s31 =	sshrl.u32 s29, $0x1;
	s7 =	smul.u32 $0x500, s6;
	s10 =	sadd.s32 s5, s3  }
0x8: {  	s6 =	sshll.u32 s6, $0x1;
	s5 =	ssub.s32 s29, s31;
	s13 =	sadd.s32 $0x13880000, s12  }
0x9: {  	v0 =	vmov s12;
	s12 =	simm.s32 $0x800;
	s6 =	sadd.s32 s6, s3;
	s5 =	smax.u32 s5, $0x1  }
0xa: {  	s8 =	sadd.s32 $0x13F4, s10;
	s9 =	sadd.s32 $0x14EE, s10;
	v1 =	vmov s13;
	s13 =	simm.s32 $0x3000  }
0xb: {  	s30 =	sadd.s32 s7, s3;
	s4 =	sadd.s32 $0x10200, s6;
	s6 =	sadd.s32 $0x1200, s10  }
0xc: {  	s7 =	sadd.s32 $0x12FA, s10;
	s10 =	sadd.s32 $0x15E8, s10;
	s3 =	sadd.s32 $0x6200, s30  }
.LBB2_1:
0xd: {  	[tilespmem:s2], [sflag:$0x1] =	stream.linear.gather [hbm4b:s6+s2], $0x7D0, $0x38;
	[tilespmem:$0x3080] =	vst v63  }
0xe: {  	_ =	swait.ge [sflag:s11], $0x7D0  }
0xf: {  	[sflag:s11] =	ssyncset.done $0x0  }
0x10: {  	s15 =	simm.s32 $0x0;
	[sflag:s11] =	ssyncadd.s32 $0xFFFFF830  }
0x11: {  	v2 =	vld [tilespmem:s15+$0x0];
	_ =	sdelay $0x4  }
0x12: {  	vm0 =	vge.s32 v2, v0;
	vm1 =	vlt.s32 v2, v1  }
0x13: {  	vm0 =	vmand vm0, vm1  }
0x14: {  	v3 =	vmpcnt.ones.xlane vm0;
	_ =	sdelay $0x1  }
0x15: {  	v3 =	vxor.u32 $0x80000000, v3  }
0x16: {  	(xrf0) =	vmax.scan.msk.u32 $0xffff, v3;
	_ =	sdelay $0x5  }
0x17: {  	v3, _, _ =	vpop (xrf0)  }
0x18: {  	s17 =	simm.s32 $0x10;
	s16 =	simm.s32 $0x80;
	s15 =	simm.s32 $0x0;
	[tilespmem:s2+$0x800] =	vst.msk vm0, v2;
	(v2sf) =	vpush v3, $0xF  }
.LBB2_2:
0x19: {  	p0 =	sne.s32 s16, $0x1F00;
	v2 =	vld [tilespmem:s17+$0x0];
	_ =	sdelay $0x4  }
0x1a: {  	vm0 =	vge.s32 v2, v0;
	vm1 =	vlt.s32 v2, v1  }
0x1b: {  	vm0 =	vmand vm0, vm1  }
0x1c: {  	v3 =	vmpcnt.ones.xlane vm0;
	_ =	sdelay $0x1  }
0x1d: {  	v3 =	vxor.u32 $0x80000000, v3  }
0x1e: {  	(xrf0) =	vmax.scan.msk.u32 $0xffff, v3;
	_ =	sdelay $0x2  }
.Ltmp0:
0x1f: {  	(pc) =	sbr.rel @p0 .LBB2_2-.Ltmp0, $4  }
0x20: {  	s17 =	spop (v2sf)  }
0x21: {  	s15 =	sadd.s32 s17, s15  }
0x22: {  	v3, _, _ =	vpop (xrf0);
	s15 =	sadd.s32 $0x80000000, s15  }
0x23: {  	s17 =	sshra.s32 s16, $0x2;
	s16 =	sadd.s32 $0x40, s16;
	[tilespmem:s15+$0x800] =	vst.msk vm0, v2;
	(v2sf) =	vpush v3, $0xF  }
0x24: {  	v2 =	vld [tilespmem:s17+$0x0];
	_ =	sdelay $0x4  }
0x25: {  	vm0 =	vge.s32 v2, v0;
	vm1 =	vlt.s32 v2, v1  }
0x26: {  	vm0 =	vmand vm0, vm1  }
0x27: {  	v3 =	vmpcnt.ones.xlane vm0;
	_ =	sdelay $0x1  }
0x28: {  	v3 =	vxor.u32 $0x80000000, v3  }
0x29: {  	(xrf0) =	vmax.scan.msk.u32 $0xffff, v3;
	_ =	sdelay $0x5  }
0x2a: {  	v3, _, _ =	vpop (xrf0)  }
0x2b: {  	(v2sf) =	vpush v3, $0xF;
	_ =	sdelay $0x9  }
0x2c: {  	s16 =	spop (v2sf)  }
0x2d: {  	s15 =	sadd.s32 s16, s15  }
0x2e: {  	s15 =	sadd.s32 $0x80000000, s15  }
0x2f: {  	s30 =	simm.s32 $0x0;
	[tilespmem:s15+$0x800] =	vst.msk vm0, v2  }
0x30: {  	[tilespmem:s30], [sflag:$0x1] =	stream.linear.gather [hbm4b:s7+s30], $0x7D0, $0x38;
	[tilespmem:$0x3080] =	vst v63  }
0x31: {  	s29 =	spop (v2sf)  }
0x32: {  	_ =	swait.ge [sflag:s11], $0x7D0  }
0x33: {  	[sflag:s11] =	ssyncset.done $0x0  }
0x34: {  	s31 =	simm.s32 $0x0;
	[sflag:s11] =	ssyncadd.s32 $0xFFFFF830  }
0x35: {  	v2 =	vld [tilespmem:s31+$0x0];
	_ =	sdelay $0x4  }
0x36: {  	vm14 =	vge.s32 v2, v0;
	vm15 =	vlt.s32 v2, v1  }
0x37: {  	vm0 =	vmand vm14, vm15  }
0x38: {  	v3 =	vmpcnt.ones.xlane vm0;
	_ =	sdelay $0x1  }
0x39: {  	v3 =	vxor.u32 $0x80000000, v3  }
0x3a: {  	(xrf0) =	vmax.scan.msk.u32 $0xffff, v3;
	_ =	sdelay $0x4  }
0x3b: {  	s15 =	sadd.s32 s29, s15  }
0x3c: {  	s15 =	sadd.s32 $0x80000000, s15;
	v3, _, _ =	vpop (xrf0)  }
0x3d: {  	s17 =	simm.s32 $0x10;
	s16 =	simm.s32 $0x80;
	[tilespmem:s15+$0x800] =	vst.msk vm0, v2;
	(v2sf) =	vpush v3, $0xF  }
.LBB2_4:
0x3e: {  	p0 =	sne.s32 s16, $0x1F00;
	v2 =	vld [tilespmem:s17+$0x0];
	_ =	sdelay $0x4  }
0x3f: {  	vm0 =	vge.s32 v2, v0;
	vm1 =	vlt.s32 v2, v1  }
0x40: {  	vm0 =	vmand vm0, vm1  }
0x41: {  	v3 =	vmpcnt.ones.xlane vm0;
	_ =	sdelay $0x1  }
0x42: {  	v3 =	vxor.u32 $0x80000000, v3  }
0x43: {  	(xrf0) =	vmax.scan.msk.u32 $0xffff, v3;
	_ =	sdelay $0x2  }
.Ltmp1:
0x44: {  	(pc) =	sbr.rel @p0 .LBB2_4-.Ltmp1, $4  }
0x45: {  	s17 =	spop (v2sf)  }
0x46: {  	s15 =	sadd.s32 s17, s15  }
0x47: {  	v3, _, _ =	vpop (xrf0);
	s15 =	sadd.s32 $0x80000000, s15  }
0x48: {  	s17 =	sshra.s32 s16, $0x2;
	s16 =	sadd.s32 $0x40, s16;
	[tilespmem:s15+$0x800] =	vst.msk vm0, v2;
	(v2sf) =	vpush v3, $0xF  }
0x49: {  	v2 =	vld [tilespmem:s17+$0x0];
	_ =	sdelay $0x4  }
0x4a: {  	vm0 =	vge.s32 v2, v0;
	vm1 =	vlt.s32 v2, v1  }
0x4b: {  	vm0 =	vmand vm0, vm1  }
0x4c: {  	v3 =	vmpcnt.ones.xlane vm0;
	_ =	sdelay $0x1  }
0x4d: {  	v3 =	vxor.u32 $0x80000000, v3  }
0x4e: {  	(xrf0) =	vmax.scan.msk.u32 $0xffff, v3;
	_ =	sdelay $0x5  }
0x4f: {  	v3, _, _ =	vpop (xrf0)  }
0x50: {  	(v2sf) =	vpush v3, $0xF;
	_ =	sdelay $0x9  }
0x51: {  	s16 =	spop (v2sf)  }
0x52: {  	s15 =	sadd.s32 s16, s15  }
0x53: {  	s15 =	sadd.s32 $0x80000000, s15  }
0x54: {  	s30 =	simm.s32 $0x0;
	[tilespmem:s15+$0x800] =	vst.msk vm0, v2  }
0x55: {  	[tilespmem:s30], [sflag:$0x1] =	stream.linear.gather [hbm4b:s8+s30], $0x7D0, $0x38;
	[tilespmem:$0x3080] =	vst v63  }
0x56: {  	s29 =	spop (v2sf)  }
0x57: {  	_ =	swait.ge [sflag:s11], $0x7D0  }
0x58: {  	[sflag:s11] =	ssyncset.done $0x0  }
0x59: {  	s31 =	simm.s32 $0x0;
	[sflag:s11] =	ssyncadd.s32 $0xFFFFF830  }
0x5a: {  	v2 =	vld [tilespmem:s31+$0x0];
	_ =	sdelay $0x4  }
0x5b: {  	vm14 =	vge.s32 v2, v0;
	vm15 =	vlt.s32 v2, v1  }
0x5c: {  	vm0 =	vmand vm14, vm15  }
0x5d: {  	v3 =	vmpcnt.ones.xlane vm0;
	_ =	sdelay $0x1  }
0x5e: {  	v3 =	vxor.u32 $0x80000000, v3  }
0x5f: {  	(xrf0) =	vmax.scan.msk.u32 $0xffff, v3;
	_ =	sdelay $0x4  }
0x60: {  	s15 =	sadd.s32 s29, s15  }
0x61: {  	s15 =	sadd.s32 $0x80000000, s15;
	v3, _, _ =	vpop (xrf0)  }
0x62: {  	s17 =	simm.s32 $0x10;
	s16 =	simm.s32 $0x80;
	[tilespmem:s15+$0x800] =	vst.msk vm0, v2;
	(v2sf) =	vpush v3, $0xF  }
.LBB2_6:
0x63: {  	p0 =	sne.s32 s16, $0x1F00;
	v2 =	vld [tilespmem:s17+$0x0];
	_ =	sdelay $0x4  }
0x64: {  	vm0 =	vge.s32 v2, v0;
	vm1 =	vlt.s32 v2, v1  }
0x65: {  	vm0 =	vmand vm0, vm1  }
0x66: {  	v3 =	vmpcnt.ones.xlane vm0;
	_ =	sdelay $0x1  }
0x67: {  	v3 =	vxor.u32 $0x80000000, v3  }
0x68: {  	(xrf0) =	vmax.scan.msk.u32 $0xffff, v3;
	_ =	sdelay $0x2  }
.Ltmp2:
0x69: {  	(pc) =	sbr.rel @p0 .LBB2_6-.Ltmp2, $4  }
0x6a: {  	s17 =	spop (v2sf)  }
0x6b: {  	s15 =	sadd.s32 s17, s15  }
0x6c: {  	v3, _, _ =	vpop (xrf0);
	s15 =	sadd.s32 $0x80000000, s15  }
0x6d: {  	s17 =	sshra.s32 s16, $0x2;
	s16 =	sadd.s32 $0x40, s16;
	[tilespmem:s15+$0x800] =	vst.msk vm0, v2;
	(v2sf) =	vpush v3, $0xF  }
0x6e: {  	v2 =	vld [tilespmem:s17+$0x0];
	_ =	sdelay $0x4  }
0x6f: {  	vm0 =	vge.s32 v2, v0;
	vm1 =	vlt.s32 v2, v1  }
0x70: {  	vm0 =	vmand vm0, vm1  }
0x71: {  	v3 =	vmpcnt.ones.xlane vm0;
	_ =	sdelay $0x1  }
0x72: {  	v3 =	vxor.u32 $0x80000000, v3  }
0x73: {  	(xrf0) =	vmax.scan.msk.u32 $0xffff, v3;
	_ =	sdelay $0x5  }
0x74: {  	v3, _, _ =	vpop (xrf0)  }
0x75: {  	(v2sf) =	vpush v3, $0xF;
	_ =	sdelay $0x9  }
0x76: {  	s16 =	spop (v2sf)  }
0x77: {  	s15 =	sadd.s32 s16, s15  }
0x78: {  	s15 =	sadd.s32 $0x80000000, s15  }
0x79: {  	s30 =	simm.s32 $0x0;
	[tilespmem:s15+$0x800] =	vst.msk vm0, v2  }
0x7a: {  	[tilespmem:s30], [sflag:$0x1] =	stream.linear.gather [hbm4b:s9+s30], $0x7D0, $0x38;
	[tilespmem:$0x3080] =	vst v63  }
0x7b: {  	s29 =	spop (v2sf)  }
0x7c: {  	_ =	swait.ge [sflag:s11], $0x7D0  }
0x7d: {  	[sflag:s11] =	ssyncset.done $0x0  }
0x7e: {  	s31 =	simm.s32 $0x0;
	[sflag:s11] =	ssyncadd.s32 $0xFFFFF830  }
0x7f: {  	v2 =	vld [tilespmem:s31+$0x0];
	_ =	sdelay $0x4  }
0x80: {  	vm14 =	vge.s32 v2, v0;
	vm15 =	vlt.s32 v2, v1  }
0x81: {  	vm0 =	vmand vm14, vm15  }
0x82: {  	v3 =	vmpcnt.ones.xlane vm0;
	_ =	sdelay $0x1  }
0x83: {  	v3 =	vxor.u32 $0x80000000, v3  }
0x84: {  	(xrf0) =	vmax.scan.msk.u32 $0xffff, v3;
	_ =	sdelay $0x4  }
0x85: {  	s15 =	sadd.s32 s29, s15  }
0x86: {  	s15 =	sadd.s32 $0x80000000, s15;
	v3, _, _ =	vpop (xrf0)  }
0x87: {  	s17 =	simm.s32 $0x10;
	s16 =	simm.s32 $0x80;
	[tilespmem:s15+$0x800] =	vst.msk vm0, v2;
	(v2sf) =	vpush v3, $0xF  }
.LBB2_8:
0x88: {  	p0 =	sne.s32 s16, $0x1F00;
	v2 =	vld [tilespmem:s17+$0x0];
	_ =	sdelay $0x4  }
0x89: {  	vm0 =	vge.s32 v2, v0;
	vm1 =	vlt.s32 v2, v1  }
0x8a: {  	vm0 =	vmand vm0, vm1  }
0x8b: {  	v3 =	vmpcnt.ones.xlane vm0;
	_ =	sdelay $0x1  }
0x8c: {  	v3 =	vxor.u32 $0x80000000, v3  }
0x8d: {  	(xrf0) =	vmax.scan.msk.u32 $0xffff, v3;
	_ =	sdelay $0x2  }
.Ltmp3:
0x8e: {  	(pc) =	sbr.rel @p0 .LBB2_8-.Ltmp3, $4  }
0x8f: {  	s17 =	spop (v2sf)  }
0x90: {  	s15 =	sadd.s32 s17, s15  }
0x91: {  	v3, _, _ =	vpop (xrf0);
	s15 =	sadd.s32 $0x80000000, s15  }
0x92: {  	s17 =	sshra.s32 s16, $0x2;
	s16 =	sadd.s32 $0x40, s16;
	[tilespmem:s15+$0x800] =	vst.msk vm0, v2;
	(v2sf) =	vpush v3, $0xF  }
0x93: {  	v2 =	vld [tilespmem:s17+$0x0];
	_ =	sdelay $0x4  }
0x94: {  	vm0 =	vge.s32 v2, v0;
	vm1 =	vlt.s32 v2, v1  }
0x95: {  	vm0 =	vmand vm0, vm1  }
0x96: {  	v3 =	vmpcnt.ones.xlane vm0;
	_ =	sdelay $0x1  }
0x97: {  	v3 =	vxor.u32 $0x80000000, v3  }
0x98: {  	(xrf0) =	vmax.scan.msk.u32 $0xffff, v3;
	_ =	sdelay $0x5  }
0x99: {  	v3, _, _ =	vpop (xrf0)  }
0x9a: {  	(v2sf) =	vpush v3, $0xF;
	_ =	sdelay $0x9  }
0x9b: {  	s16 =	spop (v2sf)  }
0x9c: {  	s15 =	sadd.s32 s16, s15  }
0x9d: {  	s15 =	sadd.s32 $0x80000000, s15  }
0x9e: {  	s30 =	simm.s32 $0x0;
	[tilespmem:s15+$0x800] =	vst.msk vm0, v2  }
0x9f: {  	[tilespmem:s30], [sflag:$0x1] =	stream.linear.gather [hbm4b:s10+s30], $0x7D0, $0x38;
	[tilespmem:$0x3080] =	vst v63  }
0xa0: {  	s29 =	spop (v2sf)  }
0xa1: {  	_ =	swait.ge [sflag:s11], $0x7D0  }
0xa2: {  	[sflag:s11] =	ssyncset.done $0x0  }
0xa3: {  	s31 =	simm.s32 $0x0;
	[sflag:s11] =	ssyncadd.s32 $0xFFFFF830  }
0xa4: {  	v2 =	vld [tilespmem:s31+$0x0];
	_ =	sdelay $0x4  }
0xa5: {  	vm14 =	vge.s32 v2, v0;
	vm15 =	vlt.s32 v2, v1  }
0xa6: {  	vm0 =	vmand vm14, vm15  }
0xa7: {  	v3 =	vmpcnt.ones.xlane vm0;
	_ =	sdelay $0x1  }
0xa8: {  	v3 =	vxor.u32 $0x80000000, v3  }
0xa9: {  	(xrf0) =	vmax.scan.msk.u32 $0xffff, v3;
	_ =	sdelay $0x4  }
0xaa: {  	s15 =	sadd.s32 s29, s15  }
0xab: {  	s15 =	sadd.s32 $0x80000000, s15;
	v3, _, _ =	vpop (xrf0)  }
0xac: {  	s17 =	simm.s32 $0x10;
	s16 =	simm.s32 $0x80;
	[tilespmem:s15+$0x800] =	vst.msk vm0, v2;
	(v2sf) =	vpush v3, $0xF  }
.LBB2_10:
0xad: {  	p0 =	sne.s32 s16, $0x1F00;
	v2 =	vld [tilespmem:s17+$0x0];
	_ =	sdelay $0x4  }
0xae: {  	vm0 =	vge.s32 v2, v0;
	vm1 =	vlt.s32 v2, v1  }
0xaf: {  	vm0 =	vmand vm0, vm1  }
0xb0: {  	v3 =	vmpcnt.ones.xlane vm0;
	_ =	sdelay $0x1  }
0xb1: {  	v3 =	vxor.u32 $0x80000000, v3  }
0xb2: {  	(xrf0) =	vmax.scan.msk.u32 $0xffff, v3;
	_ =	sdelay $0x2  }
.Ltmp4:
0xb3: {  	(pc) =	sbr.rel @p0 .LBB2_10-.Ltmp4, $4  }
0xb4: {  	s17 =	spop (v2sf)  }
0xb5: {  	s15 =	sadd.s32 s17, s15  }
0xb6: {  	v3, _, _ =	vpop (xrf0);
	s15 =	sadd.s32 $0x80000000, s15  }
0xb7: {  	s17 =	sshra.s32 s16, $0x2;
	s16 =	sadd.s32 $0x40, s16;
	[tilespmem:s15+$0x800] =	vst.msk vm0, v2;
	(v2sf) =	vpush v3, $0xF  }
0xb8: {  	v2 =	vld [tilespmem:s17+$0x0];
	_ =	sdelay $0x4  }
0xb9: {  	vm0 =	vge.s32 v2, v0;
	vm1 =	vlt.s32 v2, v1  }
0xba: {  	vm0 =	vmand vm0, vm1  }
0xbb: {  	v3 =	vmpcnt.ones.xlane vm0;
	_ =	sdelay $0x1  }
0xbc: {  	v3 =	vxor.u32 $0x80000000, v3  }
0xbd: {  	(xrf0) =	vmax.scan.msk.u32 $0xffff, v3;
	_ =	sdelay $0x5  }
0xbe: {  	v3, _, _ =	vpop (xrf0)  }
0xbf: {  	(v2sf) =	vpush v3, $0xF;
	_ =	sdelay $0xc  }
0xc0: {  	s16 =	spop (v2sf)  }
0xc1: {  	s15 =	sadd.s32 s16, s15  }
0xc2: {  	s15 =	sadd.s32 $0x80000000, s15;
	s30 =	spop (v2sf)  }
0xc3: {  	s16 =	sadd.s32 s30, s15  }
0xc4: {  	[tilespmem:s15+$0x800] =	vst.msk vm0, v2;
	s31 =	sadd.s32 $0x80000000, s16  }
0xc5: {  	[tilespmem:s31+$0x800] =	vst v1  }
0xc6: {  	[tilespmem:s31+$0x810] =	vst v1  }
0xc7: {  	[tilespmem:s31+$0x820] =	vst v1  }
0xc8: {  	[tilespmem:s31+$0x830] =	vst v1  }
0xc9: {  	[tilespmem:s31+$0x840] =	vst v1  }
0xca: {  	[tilespmem:s31+$0x850] =	vst v1  }
0xcb: {  	[tilespmem:s31+$0x860] =	vst v1  }
0xcc: {  	[tilespmem:s31+$0x870] =	vst v1;
	v2 =	vmov s31  }
0xcd: {  	[tilespmem:$0x3000] =	vst v2  }
0xce: {  	[hbm4b:s3+s2] =	stream.linear.scatter [tilespmem:s12], [sflag:$0x1], $0x2800, $0x38;
	[tilespmem:$0x3080] =	vst v63  }
0xcf: {  	s14 =	sadd.s32 $0x1, s14;
	_ =	swait.ge [sflag:s11], $0x2800  }
0xd0: {  	p0 =	sne.s32 s14, s5;
	[sflag:s11] =	ssyncset.done $0x0  }
.Ltmp5:
0xd1: {  	[sflag:s11] =	ssyncadd.s32 $0xFFFFD800;
	(pc) =	sbr.rel @p0 .LBB2_1-.Ltmp5, $4  }
0xd2: {  	[hbm4b:s4+s2] =	stream.linear.scatter [tilespmem:s13], [sflag:$0x1], $0x10, $0x38;
	[tilespmem:$0x3080] =	vst v63  }
0xd3: {  	_ =	swait.ge [sflag:s11], $0x10  }
0xd4: {  	[sflag:s11] =	ssyncset.done $0x0  }
0xd5: {  	[sflag:s11] =	ssyncadd.s32 $0xFFFFFFF0  }
0xd6: {  	_ =	sfence.sel $0x180000  }
0xd7: {  	[bflag:$0x0] =	sbarrier.arrive $0xFFFF  }
0xd8: {  	p0 =	sne.s32 s1, $0x0;
	_ =	strace $0x90000047  }
0xd9: {  	s0 =	sadd.s32 @!p0 $0x100000, s0;
	[bflag:$0x2] =	sbarrier.arrive $0xFFFF  }
0xda: {  	[sflag:s0] =	ssyncadd.tile.s32 @!p0 $0x1;
	_ =	shalt  }
.Lfunc_end2:
_tile_overlayer_lowered:
.L_overlay_start_2:
0xdb: {  	(tag) =	ssettag $0x2  }
0xdc: {  	s0 =	rddreg [dreg:$0x0];
	s2 =	stileid.u32  }
0xdd: {  	s1 =	rddreg [dreg:$0x1];
	p0 =	sne.s32 s2, $0x0  }
0xde: {  	s3 =	rddreg [dreg:$0x2];
	[bflag:$0x3] =	sbarrier.arrive $0xFFFF;
	s2 =	simm.s32 @!p0 $0x1C01  }
0xdf: {  	[timem:s3], [sflag:s2] =	dma.local @!p0 [hbm:s0], s1  }
0xe0: {  	s0 =	simm.s32 @!p0 $0x1  }
0xe1: {  	_ =	swait.ge @!p0 [sflag:s0], s1  }
0xe2: {  	s1 =	ssub.s32 @!p0 $0x0, s1;
	[sflag:s0] =	ssyncset.done @!p0 $0x0  }
0xe3: {  	[sflag:s0] =	ssyncadd.s32 @!p0 s1  }
0xe4: {  	[bflag:$0x3] =	sbarrier.arrive $0xFFFF  }
0xe5: {  	_ =	shalt  }

// kernel: kernel.9.cloned.1.call-start
scs
__scs_entry_jumppad:
0x0: {  	(pc) =	sbr.rel $0x88, $3  }
0x1: {  	(tag) =	ssettag $0x0;
	lr =	simm.s32 $0x1  }
0x2: {  	[smem:$0x3F9D] =	sst lr;
	_ =	strace $0xD0000000  }
0x3: {  	_ = 	snop  }
0x4: {  	_ = 	snop  }
0x5: {  	_ = 	snop  }
0x6: {  	_ = 	snop  }
0x7: {  	_ = 	snop  }
__scs_overlays_trampoline_lowered:
0x8: {  	[smem:$0x3FAC] =	sst s0  }
0x9: {  	[smem:$0x3FAD] =	sst s1  }
0xa: {  	[smem:$0x3FAE] =	sst s2  }
0xb: {  	[smem:$0x3FAF] =	sst s3  }
0xc: {  	[smem:$0x3FB0] =	sst s4  }
0xd: {  	[smem:$0x3FB1] =	sst s5  }
0xe: {  	[smem:$0x3FB2] =	sst s6  }
0xf: {  	[smem:$0x3FB3] =	sst s7  }
0x10: {  	[smem:$0x3FB4] =	sst s8  }
0x11: {  	[smem:$0x3FB5] =	sst s9;
	s0 =	simm.s32 @!p0 $0x0  }
0x12: {  	s1 =	sld [smem:$0x3F9B];
	s0 =	simm.s32 @p0 $0x1  }
0x13: {  	[smem:$0x3FB6] =	sst s0;
	s0 =	simm.s32 @!p1 $0x0  }
0x14: {  	s2 =	sld [smem:$0x3F9A];
	s0 =	simm.s32 @p1 $0x1  }
0x15: {  	[smem:$0x3FB7] =	sst s0;
	s0 =	simm.s32 @!p2 $0x0  }
0x16: {  	s3 =	sld [smem:$0x3FDB];
	s0 =	simm.s32 @p2 $0x1  }
0x17: {  	s4 =	simm.s32 $0x1BF5;
	[smem:$0x3FB9] =	sst s0  }
0x18: {  	s0 =	sld [smem:$0x3F9C];
	_ =	swait.ge [sflag:s4], $0x0  }
0x19: {  	s7 =	sld [smem:$0x3F9D]  }
0x1a: {  	s8 =	sadd.s32 $0xFFFFE003, lr  }
0x1b: {  	s9 =	sadd.s32 $0xFFFFFEF7, lr;
	s5 =	simm.s32 $0xFFFFFFFF;
	p2 =	slt.u32 s8, $0xFFFFF086  }
0x1c: {  	p1 =	slt.u32 s9, $0xF7A;
	s5 =	simm.s32 @!p2 $0x0  }
0x1d: {  	s5 =	simm.s32 @p1 $0x1;
	p0 =	seq.s32 s7, s2  }
0x1e: {  	s7 =	smul.u32 @!p0 $0xF7A, s2;
	p2 =	seq.s32 @!p0 s5, $0x0  }
0x1f: {  	s9 =	smul.u32 $0xF7A, s1;
	s8 =	simm.s32 @!p0 $0x1BF5;
	p2 =	por !p2, p0  }
0x20: {  	[sflag:s8] =	ssyncset.s32 @!p0 $0xFFFFF086;
	s6 =	sadd.s32 @!p0 s3, s7;
	s7 =	simm.s32 @!p0 $0x108  }
0x21: {  	s3 =	sadd.s32 s3, s9;
	s6 =	sadd.s32 @!p0 $0x88, s6;
	s7 =	simm.s32 @p2 $0x1082  }
0x22: {  	[simem:s7], [sflag:s8] =	dma.local @!p0 [hbm:s6], $0xF7A  }
0x23: {  	s9 =	sor.u32 $0xD0000000, s2;
	s6 =	simm.s32 $0x108;
	_ =	swait.ge @!p0 [sflag:s8], $0x0  }
0x24: {  	s3 =	sadd.s32 $0x88, s3;
	s6 =	simm.s32 @!p1 $0x1082;
	[sflag:s4] =	ssyncset.s32 $0xFFFFF086  }
0x25: {  	[simem:s6], [sflag:s4] =	dma.local [hbm:s3], $0xF7A  }
0x26: {  	[smem:$0x3F9D] =	sst s1;
	(tag) =	ssettag s2;
	_ =	strace s9  }
0x27: {  	s1 =	sld [smem:$0x3FAD]  }
0x28: {  	s2 =	sld [smem:$0x3FAE]  }
0x29: {  	s4 =	sld [smem:$0x3FB0]  }
0x2a: {  	p0 =	seq.s32 s5, $0x0;
	s5 =	sld [smem:$0x3FB1]  }
0x2b: {  	s6 =	sld [smem:$0x3FB2]  }
0x2c: {  	s7 =	sld [smem:$0x3FB3]  }
0x2d: {  	s3 =	simm.s32 $0x108;
	s8 =	sld [smem:$0x3FB4]  }
0x2e: {  	s3 =	simm.s32 @!p0 $0x1082;
	s9 =	sld [smem:$0x3FB5]  }
0x2f: {  	lr =	sadd.s32 s0, s3;
	s0 =	sld [smem:$0x3FAC]  }
0x30: {  	s3 =	sld [smem:$0x3FAF]  }
0x31: {  	[smem:$0x3FB8] =	sst s10  }
0x32: {  	s10 =	sld [smem:$0x3FB6];
	_ =	sdelay $0x3  }
0x33: {  	p0 =	seq.s32 s10, $0x1;
	s10 =	sld [smem:$0x3FB8];
	_ =	sdelay $0x3  }
0x34: {  	[smem:$0x3FB8] =	sst s10  }
0x35: {  	s10 =	sld [smem:$0x3FB7];
	_ =	sdelay $0x3  }
0x36: {  	p1 =	seq.s32 s10, $0x1;
	s10 =	sld [smem:$0x3FB8];
	_ =	sdelay $0x3  }
0x37: {  	[smem:$0x3FB8] =	sst s10  }
0x38: {  	s10 =	sld [smem:$0x3FB9]  }
0x39: {  	_ = 	snop;
	(pc) =	sbr.ind lr, $3  }
0x3a: {  	_ = 	snop  }
0x3b: {  	_ = 	snop  }
0x3c: {  	p2 =	seq.s32 s10, $0x1;
	s10 =	sld [smem:$0x3FB8]  }
0x3d: {  	_ =	shalt  }
0x3e: {  	_ =	shalt  }
0x3f: {  	_ =	shalt  }
0x40: {  	_ =	shalt  }
0x41: {  	_ =	shalt  }
0x42: {  	_ =	shalt  }
0x43: {  	_ =	shalt  }
0x44: {  	_ =	shalt  }
0x45: {  	_ =	shalt  }
0x46: {  	_ =	shalt  }
0x47: {  	_ =	shalt  }
0x48: {  	_ =	shalt  }
0x49: {  	_ =	shalt  }
0x4a: {  	_ =	shalt  }
0x4b: {  	_ =	shalt  }
0x4c: {  	_ =	shalt  }
0x4d: {  	_ =	shalt  }
0x4e: {  	_ =	shalt  }
0x4f: {  	_ =	shalt  }
0x50: {  	_ =	shalt  }
0x51: {  	_ =	shalt  }
0x52: {  	_ =	shalt  }
0x53: {  	_ =	shalt  }
0x54: {  	_ =	shalt  }
0x55: {  	_ =	shalt  }
0x56: {  	_ =	shalt  }
0x57: {  	_ =	shalt  }
0x58: {  	_ =	shalt  }
0x59: {  	_ =	shalt  }
0x5a: {  	_ =	shalt  }
0x5b: {  	_ =	shalt  }
0x5c: {  	_ =	shalt  }
0x5d: {  	_ =	shalt  }
0x5e: {  	_ =	shalt  }
0x5f: {  	_ =	shalt  }
0x60: {  	_ =	shalt  }
0x61: {  	_ =	shalt  }
0x62: {  	_ =	shalt  }
0x63: {  	_ =	shalt  }
0x64: {  	_ =	shalt  }
0x65: {  	_ =	shalt  }
0x66: {  	_ =	shalt  }
0x67: {  	_ =	shalt  }
0x68: {  	_ =	shalt  }
0x69: {  	_ =	shalt  }
0x6a: {  	_ =	shalt  }
0x6b: {  	_ =	shalt  }
0x6c: {  	_ =	shalt  }
0x6d: {  	_ =	shalt  }
0x6e: {  	_ =	shalt  }
0x6f: {  	_ =	shalt  }
0x70: {  	_ =	shalt  }
0x71: {  	_ =	shalt  }
0x72: {  	_ =	shalt  }
0x73: {  	_ =	shalt  }
0x74: {  	_ =	shalt  }
0x75: {  	_ =	shalt  }
0x76: {  	_ =	shalt  }
0x77: {  	_ =	shalt  }
0x78: {  	_ =	shalt  }
0x79: {  	_ =	shalt  }
0x7a: {  	_ =	shalt  }
0x7b: {  	_ =	shalt  }
0x7c: {  	_ =	shalt  }
0x7d: {  	_ =	shalt  }
0x7e: {  	_ =	shalt  }
0x7f: {  	_ =	shalt  }
0x80: {  	_ =	shalt  }
0x81: {  	_ =	shalt  }
0x82: {  	_ =	shalt  }
0x83: {  	_ =	shalt  }
0x84: {  	_ =	shalt  }
0x85: {  	_ =	shalt  }
0x86: {  	_ =	shalt  }
0x87: {  	_ =	shalt  }
.Lfunc_end0:
.L_simem_size_0:
called_computation.1_lowered:
.L_overlay_start_0:
0x88: {  	s2 =	sld [smem:$0x3FD9]  }
0x89: {  	s3 =	sld [smem:$0x3FFE];
	_ =	sdelay $0x1  }
0x8a: {  	s1 =	srdreg.scid  }
0x8b: {  	s0 =	sand.u32 $0x1, s1  }
0x8c: {  	s17 =	sshll.u32 s0, $0xA;
	s2 =	sadd.s32 s3, s2  }
0x8d: {  	s2 =	sadd.s32 s2, s17  }
0x8e: {  	[smem:$0x3FC4] =	sst s2  }
0x8f: {  	_ = 	snop  }
0x90: {  	s2 =	sld [smem:$0x3FD0];
	(tm) =	ssettm $0x1  }
0x91: {  	s18 =	sld [smem:$0x3FFB];
	_ =	sdelay $0x3  }
0x92: {  	_ =	strace s18  }
0x93: {  	s3 =	sld [smem:$0x3FFC];
	_ =	sdelay $0x3  }
0x94: {  	_ =	strace s3  }
0x95: {  	s3 =	sld [smem:$0x3FFD];
	_ =	sdelay $0x3  }
0x96: {  	_ =	strace s3  }
0x97: {  	_ =	strace $0x8FFFFFFF  }
0x98: {  	s19 =	sld [smem:$0x3FDB];
	_ =	sdelay $0x1  }
0x99: {  	s4 =	simm.s32 $_scs_section_size  }
0x9a: {  	s5 =	simm.s32 $_size__tile_overlayer_lowered;
	s6 =	simm.s32 $_tile_overlayer_lowered  }
0x9b: {  	s22 =	simm.s32 $0x1BFF;
	s21 =	sshll.u32 s6, $0x1;
	s3 =	sadd.s32 s4, s19  }
0x9c: {  	s7 =	simm.s32 $0x0;
	s20 =	sshll.u32 s5, $0x1;
	s5 =	sadd.s32 s21, s3  }
0x9d: {  	[timem:s7], [sflag:s22] =	dma.local [hbm:s5], s20  }
0x9e: {  	_ =	swait.ge [sflag:s22], s20  }
0x9f: {  	s4 =	ssub.s32 $0x0, s20;
	[sflag:s22] =	ssyncset.done $0x0  }
0xa0: {  	[sflag:s22] =	ssyncadd.s32 s4;
	_ =	sdelay $0x1  }
0xa1: {  	s23 =	simm.s32 $0x1B8B  }
0xa2: {  	_ =	swait.ge [sflag:s23], $0x1  }
0xa3: {  	[sflag:s23] =	ssyncset.done $0x0  }
0xa4: {  	s25 =	simm.s32 $0x1B8E;
	s24 =	sld [smem:$0x3FFE];
	[sflag:s23] =	ssyncadd.s32 $0xFFFFFFFF  }
0xa5: {  	s26 =	simm.s32 $execute0_lowered;
	[smem:$0x3FD2] =	sst s25  }
0xa6: {  	s5 =	sshll.u32 s26, $0x1;
	_ =	strace $0x80000049;
	[dreg:$0x1] =	wrdreg $0xFFFFFFFF  }
0xa7: {  	s28 =	simm.s32 $_size_execute0_lowered;
	s3 =	sadd.s32 s3, s5;
	[dreg:$0x0] =	wrdreg $0x0  }
0xa8: {  	s5 =	sshll.u32 s28, $0x1;
	[dreg:$0x2] =	wrdreg s3  }
0xa9: {  	[dreg:$0x3] =	wrdreg s5  }
0xaa: {  	[dreg:$0x4] =	wrdreg $0xC0  }
0xab: {  	_ =	task [dreg:s7], $0x5FFFF  }
0xac: {  	[dreg:$0x1] =	wrdreg $0xFFFFFFFF  }
0xad: {  	[dreg:$0x0] =	wrdreg $0x60  }
0xae: {  	[dreg:$0x2] =	wrdreg s2  }
0xaf: {  	[dreg:$0x3] =	wrdreg s24  }
0xb0: {  	[dreg:$0x4] =	wrdreg $0xAA800  }
0xb1: {  	[dreg:$0x5] =	wrdreg $0x9  }
0xb2: {  	_ =	task.clear_ibuf [dreg:s7], $0x6FFFF;
	_ =	strace $0x90000049  }
0xb3: {  	s29 =	simm.s32 $0x9;
	_ =	strace $0x8000004B  }
0xb4: {  	_ =	swait.ge [sflag:s29], $0x1  }
0xb5: {  	[sflag:s29] =	ssyncadd.s32 $0xFFFFFFFF  }
0xb6: {  	_ =	strace $0x9000004B  }
0xb7: {  	_ =	sfence  }
0xb8: {  	s30 =	sld [smem:$0x0];
	_ =	sdelay $0x2  }
0xb9: {  	s31 =	sshll.u32 s1, $0xD;
	s1 =	sshrl.u32 s1, $0x2  }
0xba: {  	s3 =	sand.u32 $0x4000, s31;
	s1 =	sadd.s32 s1, s30  }
0xbb: {  	s0 =	sor.u32 s3, s0;
	s1 =	sshll.u32 s1, $0x11  }
0xbc: {  	s0 =	sor.u32 s1, s0  }
0xbd: {  	s0 =	sadd.s32 $0x8F2B, s0  }
0xbe: {  	[sflag:s0] =	ssyncadd.remote.s32 $0x1  }
0xbf: {  	_ =	sfence.sel $0xFFFF  }
0xc0: {  	[dreg:$0x0] =	wrdreg $0xFFFFFFFF;
	(pc) =	sbr.abs _section_cstart, $3  }
0xc1: {  	[dreg:$0x1] =	wrdreg $0xFFFFFFFF  }
0xc2: {  	_ =	task.clear_ibuf [dreg:s7], $0x2FFFF;
	_ =	strace $0x9FFFFFFF  }
0xc3: {  	(tm) =	ssettm $0x7FFFFFFF  }
tec
execute0_lowered:
.L_overlay_start_1:
0x0: {  	(tag) =	ssettag $0x1  }
0x1: {  	s0 =	rddreg [dreg:$0x0]  }
0x2: {  	s1 =	srdreg.scid;
	s5 =	rddreg [dreg:$0x1]  }
0x3: {  	s2 =	rddreg [dreg:$0x2];
	s3 =	stileid.u32;
	s4 =	simm.s32 $0x0  }
0x4: {  	s15 =	simm.s32 $0x2A80;
	s16 =	simm.s32 $0x3;
	s18 =	simm.s32 $0x1  }
0x5: {  	s19 =	simm.s32 $0x40;
	s21 =	simm.s32 $0x2900;
	s22 =	simm.s32 $0x6A80  }
0x6: {  	s24 =	simm.s32 $0x2980;
	s28 =	simm.s32 $0x2A00;
	s9 =	smul.u32 $0x50000, s3  }
0x7: {  	s6 =	sand.u32 $0x1, s1;
	[smem:$0x7FF] =	sst s4;
	s11 =	smul.u32 $0x4E000, s3  }
0x8: {  	s10 =	sadd.s32 $0x10400, s5;
	s13 =	smul.u32 $0x138, s3;
	s26 =	sadd.s32 $0x138000, s2  }
0x9: {  	p0 =	sne.s32 s3, $0x0;
	s7 =	sshll.u32 s6, $0x4;
	s25 =	smul.u32 $0x1388, s6  }
0xa: {  	_ =	strace $0x8000004A;
	s29 =	ssub.s32 $0x2, s6;
	s30 =	smul.u32 $0x138800, s6  }
0xb: {  	s7 =	sor.u32 s3, s7;
	s12 =	sshrl.u32 s29, $0x1;
	s9 =	sshrl.u32 s9, $0x2  }
0xc: {  	s11 =	sshrl.u32 s11, $0x2;
	s8 =	smul.u32 $0x500, s7;
	s7 =	sshll.u32 s7, $0x1  }
0xd: {  	s12 =	ssub.s32 s29, s12;
	s31 =	sadd.s32 s13, s25;
	s23 =	sadd.s32 s11, s2  }
0xe: {  	v0 =	vmov s25;
	s25 =	sshrl.u32 @!p0 s26, $0x3;
	s26 =	simm.s32 $0x2;
	s7 =	sadd.s32 s7, s5  }
0xf: {  	s23 =	sshrl.u32 s23, $0x3;
	s8 =	sadd.s32 s8, s5;
	s5 =	sadd.s32 s9, s2  }
0x10: {  	s7 =	sadd.s32 $0x10200, s7;
	s9 =	sshrl.u32 s30, $0x3;
	s6 =	sadd.s32 $0x6200, s8  }
0x11: {  	s8 =	sshll.u32 s31, $0x5;
	s9 =	sadd.s32 s10, s9;
	s11 =	sadd.s32 $0x4000, s5  }
0x12: {  	s13 =	sadd.s32 $0xC000, s5;
	s14 =	sadd.s32 $0x10000, s5;
	s8 =	sadd.s32 s10, s8  }
0x13: {  	v1 =	vimm.f32 $0.0e+00;
	s9 =	sadd.s32 $0x27000, s9;
	s10 =	smax.u32 s12, $0x1;
	s12 =	sadd.s32 $0x8000, s5  }
.LBB2_1:
0x14: {  	s29 =	simm.s32 $0x0;
	s30 =	simm.s32 $0x400  }
.LBB2_2:
0x15: {  	p1 =	sne.s32 s30, $0xFC00;
	[tilespmem:s29+$0x2B70] =	vst v1  }
0x16: {  	[tilespmem:s29+$0x2A80] =	vst v1  }
0x17: {  	[tilespmem:s29+$0x2B00] =	vst v1  }
0x18: {  	[tilespmem:s29+$0x2A90] =	vst v1  }
0x19: {  	[tilespmem:s29+$0x2B10] =	vst v1  }
0x1a: {  	[tilespmem:s29+$0x2AA0] =	vst v1  }
0x1b: {  	[tilespmem:s29+$0x2B20] =	vst v1  }
0x1c: {  	[tilespmem:s29+$0x2AB0] =	vst v1  }
0x1d: {  	[tilespmem:s29+$0x2B30] =	vst v1  }
0x1e: {  	[tilespmem:s29+$0x2AC0] =	vst v1  }
0x1f: {  	[tilespmem:s29+$0x2B40] =	vst v1  }
.Ltmp0:
0x20: {  	[tilespmem:s29+$0x2AD0] =	vst v1;
	(pc) =	sbr.rel @p1 .LBB2_2-.Ltmp0, $4  }
0x21: {  	[tilespmem:s29+$0x2B50] =	vst v1  }
0x22: {  	[tilespmem:s29+$0x2AE0] =	vst v1  }
0x23: {  	[tilespmem:s29+$0x2B60] =	vst v1  }
0x24: {  	[tilespmem:s29+$0x2AF0] =	vst v1;
	s29 =	sshra.s32 s30, $0x2;
	s30 =	sadd.s32 $0x400, s30  }
0x25: {  	[tilespmem:s29+$0x2B70] =	vst v1  }
0x26: {  	[tilespmem:s29+$0x2A80] =	vst v1  }
0x27: {  	[tilespmem:s29+$0x2B00] =	vst v1  }
0x28: {  	[tilespmem:s29+$0x2A90] =	vst v1  }
0x29: {  	[tilespmem:s29+$0x2B10] =	vst v1  }
0x2a: {  	[tilespmem:s29+$0x2AA0] =	vst v1  }
0x2b: {  	[tilespmem:s29+$0x2B20] =	vst v1  }
0x2c: {  	[tilespmem:s29+$0x2AB0] =	vst v1  }
0x2d: {  	[tilespmem:s29+$0x2B30] =	vst v1  }
0x2e: {  	[tilespmem:s29+$0x2AC0] =	vst v1  }
0x2f: {  	[tilespmem:s29+$0x2B40] =	vst v1  }
0x30: {  	[tilespmem:s29+$0x2AD0] =	vst v1  }
0x31: {  	[tilespmem:s29+$0x2B50] =	vst v1  }
0x32: {  	[tilespmem:s29+$0x2AE0] =	vst v1  }
0x33: {  	[tilespmem:s29+$0x2B60] =	vst v1  }
0x34: {  	[tilespmem:s29+$0x2AF0] =	vst v1  }
0x35: {  	[spmem:s5] =	stream.linear.scatter [tilespmem:s15], [sflag:$0x3], $0x4000, $0x38;
	[tilespmem:$0x1EA80] =	vst v63  }
0x36: {  	_ =	swait.ge [sflag:s16], $0x4000  }
0x37: {  	[sflag:s16] =	ssyncset.done $0x0  }
0x38: {  	[sflag:s16] =	ssyncadd.s32 $0xFFFFC000  }
0x39: {  	[spmem:s11] =	stream.linear.scatter [tilespmem:s15], [sflag:$0x3], $0x4000, $0x38;
	[tilespmem:$0x1EA80] =	vst v63  }
0x3a: {  	_ =	swait.ge [sflag:s16], $0x4000  }
0x3b: {  	[sflag:s16] =	ssyncset.done $0x0  }
0x3c: {  	[sflag:s16] =	ssyncadd.s32 $0xFFFFC000  }
0x3d: {  	[spmem:s12] =	stream.linear.scatter [tilespmem:s15], [sflag:$0x3], $0x4000, $0x38;
	[tilespmem:$0x1EA80] =	vst v63  }
0x3e: {  	_ =	swait.ge [sflag:s16], $0x4000  }
0x3f: {  	[sflag:s16] =	ssyncset.done $0x0  }
0x40: {  	[sflag:s16] =	ssyncadd.s32 $0xFFFFC000  }
0x41: {  	[spmem:s13] =	stream.linear.scatter [tilespmem:s15], [sflag:$0x3], $0x4000, $0x38;
	[tilespmem:$0x1EA80] =	vst v63  }
0x42: {  	_ =	swait.ge [sflag:s16], $0x4000  }
0x43: {  	[sflag:s16] =	ssyncset.done $0x0  }
0x44: {  	[sflag:s16] =	ssyncadd.s32 $0xFFFFC000  }
0x45: {  	[spmem:s14] =	stream.linear.scatter [tilespmem:s15], [sflag:$0x3], $0x4000, $0x38;
	[tilespmem:$0x1EA80] =	vst v63  }
0x46: {  	_ =	swait.ge [sflag:s16], $0x4000  }
0x47: {  	[sflag:s16] =	ssyncset.done $0x0  }
0x48: {  	[sflag:s16] =	ssyncadd.s32 $0xFFFFC000  }
0x49: {  	s29 =	simm.s32 $0x0;
	[bflag:$0x0] =	sbarrier.arrive $0xFFFF  }
0x4a: {  	[tilespmem:s29], [sflag:$0x3] =	stream.linear.gather [hbm4b:s6+s29], $0x2800, $0x38;
	[tilespmem:$0x1EA80] =	vst v63  }
0x4b: {  	_ =	swait.ge [sflag:s16], $0x2800  }
0x4c: {  	[sflag:s16] =	ssyncset.done $0x0  }
0x4d: {  	s1 =	simm.s32 $0x2800;
	[sflag:s16] =	ssyncadd.s32 $0xFFFFD800  }
0x4e: {  	[tilespmem:s1], [sflag:$0x3] =	stream.linear.gather [hbm4b:s7+s29], $0x10, $0x38;
	[tilespmem:$0x1EA80] =	vst v63  }
0x4f: {  	_ =	swait.ge [sflag:s16], $0x10  }
0x50: {  	[sflag:s16] =	ssyncset.done $0x0  }
0x51: {  	[sflag:s16] =	ssyncadd.s32 $0xFFFFFFF0  }
0x52: {  	v2 =	vld [tilespmem:$0x0];
	_ =	sdelay $0x1  }
0x53: {  	v3 =	vld [tilespmem:$0x10];
	_ =	sdelay $0x1  }
0x54: {  	v4 =	vld [tilespmem:$0x20]  }
0x55: {  	v5 =	vand.u32 $0xFFFF, v2;
	v2 =	vshra.s32 v2, $0x10  }
0x56: {  	v62 =	vld [tilespmem:$0x30];
	[tilespmem:$0x2880] =	vst v5;
	v2 =	vsub.s32 v2, v0  }
0x57: {  	[tilespmem:$0x2980] =	vst v2;
	v2 =	vand.u32 $0xFFFF, v3;
	v3 =	vshra.s32 v3, $0x10  }
0x58: {  	[tilespmem:$0x2890] =	vst v2;
	v2 =	vsub.s32 v3, v0  }
0x59: {  	v3 =	vshra.s32 v4, $0x10;
	[tilespmem:$0x2990] =	vst v2;
	v2 =	vand.u32 $0xFFFF, v4  }
0x5a: {  	[tilespmem:$0x28A0] =	vst v2;
	v2 =	vsub.s32 v3, v0  }
0x5b: {  	v3 =	vshra.s32 v62, $0x10;
	[tilespmem:$0x29A0] =	vst v2;
	v2 =	vand.u32 $0xFFFF, v62  }
0x5c: {  	[tilespmem:$0x28B0] =	vst v2;
	v2 =	vsub.s32 v3, v0  }
0x5d: {  	s17 =	simm.s32 $0x2880;
	s29 =	simm.s32 $0x60;
	[tilespmem:$0x29B0] =	vst v2  }
0x5e: {  	v3 =	vld [tilespmem:$0x2800];
	[tilespmem:s15], [sflag:$0x1] =	stream.indirect.gather [hbm4b:s0+s19], $0x100, s17, s19, $0xb8  }
0x5f: {  	v2 =	vld [tilespmem:s29+$0xFFFFFFE0];
	_ =	sdelay $0x4  }
0x60: {  	v63 =	vand.u32 $0xFFFF, v2;
	v2 =	vshra.s32 v2, $0x10  }
0x61: {  	[tilespmem:$0x2900] =	vst v63;
	v2 =	vsub.s32 v2, v0  }
0x62: {  	[tilespmem:$0x2A00] =	vst v2  }
0x63: {  	v2 =	vld [tilespmem:s29+$0xFFFFFFF0];
	_ =	sdelay $0x2  }
0x64: {  	(v2sf) =	vpush v3, $0x0;
	_ =	sdelay $0x1  }
0x65: {  	v3 =	vand.u32 $0xFFFF, v2;
	v2 =	vshra.s32 v2, $0x10  }
0x66: {  	[tilespmem:$0x2910] =	vst v3;
	v2 =	vsub.s32 v2, v0  }
0x67: {  	[tilespmem:$0x2A10] =	vst v2  }
0x68: {  	v2 =	vld [tilespmem:s29+$0x0];
	_ =	sdelay $0x4  }
0x69: {  	v3 =	vand.u32 $0xFFFF, v2;
	v2 =	vshra.s32 v2, $0x10  }
0x6a: {  	[tilespmem:$0x2920] =	vst v3;
	v2 =	vsub.s32 v2, v0  }
0x6b: {  	[tilespmem:$0x2A20] =	vst v2  }
0x6c: {  	v2 =	vld [tilespmem:s29+$0x10];
	_ =	sdelay $0x1  }
0x6d: {  	s30 =	spop (v2sf)  }
0x6e: {  	s30 =	sadd.s32 $0x7F, s30  }
0x6f: {  	s31 =	sand.u32 $0x7F, s30  }
0x70: {  	s20 =	sshra.s32 s30, $0x1F;
	p1 =	slt.s32 s30, $0x1;
	p2 =	sne.s32 s31, $0x0;
	v3 =	vand.u32 $0xFFFF, v2;
	v2 =	vshra.s32 v2, $0x10  }
0x71: {  	s1 =	sshrl.u32 s20, $0x19;
	p1 =	por !p1, !p2;
	[tilespmem:$0x2930] =	vst v3;
	v2 =	vsub.s32 v2, v0  }
0x72: {  	s1 =	sadd.s32 s1, s30;
	s30 =	simm.s32 $0x1;
	p1 =	por !p1, !p1;
	[tilespmem:$0x2A30] =	vst v2  }
0x73: {  	[tilespmem:s22], [sflag:$0x2] =	stream.indirect.gather [hbm4b:s0+s19], $0x100, s21, s19, $0xb8;
	[tilespmem:$0x1EA80] =	vst v63  }
0x74: {  	s1 =	sshra.s32 s1, $0x7;
	s30 =	simm.s32 @!p1 $0x0;
	_ =	swait.ge [sflag:s18], $0x4000  }
0x75: {  	s1 =	ssub.s32 s1, s30;
	[sflag:s18] =	ssyncset.done $0x0  }
0x76: {  	p1 =	sgt.s32 s1, $0x1;
	[sflag:s18] =	ssyncadd.s32 $0xFFFFC000  }
0x77: {  	[spmem:s2] =	stream.indirect.scatter.add.f32 [tilespmem:s15], [sflag:$0x3], $0x100, s24, s19, $0xb8;
	[tilespmem:$0x1EA80] =	vst v63  }
0x78: {  	s1 =	simm.s32 @!p1 $0x1;
	_ =	swait.ge [sflag:s16], $0x4000  }
0x79: {  	s30 =	sshll.u32 s1, $0x1;
	[sflag:s16] =	ssyncset.done $0x0  }
0x7a: {  	p1 =	sle.u32 s30, $0x2;
	[sflag:s16] =	ssyncadd.s32 $0xFFFFC000  }
0x7b: {  	v2 =	vld @!p1 [tilespmem:s29+$0x20];
	_ =	sdelay $0x4  }
0x7c: {  	v3 =	vand.u32 @!p1 $0xFFFF, v2;
	v2 =	vshra.s32 @!p1 v2, $0x10  }
0x7d: {  	[tilespmem:$0x2880] =	vst @!p1 v3;
	v2 =	vsub.s32 @!p1 v2, v0  }
0x7e: {  	[tilespmem:$0x2980] =	vst @!p1 v2  }
0x7f: {  	v2 =	vld @!p1 [tilespmem:s29+$0x30];
	_ =	sdelay $0x4  }
0x80: {  	v3 =	vand.u32 @!p1 $0xFFFF, v2;
	v2 =	vshra.s32 @!p1 v2, $0x10  }
0x81: {  	[tilespmem:$0x2890] =	vst @!p1 v3;
	v2 =	vsub.s32 @!p1 v2, v0  }
0x82: {  	[tilespmem:$0x2990] =	vst @!p1 v2  }
0x83: {  	v2 =	vld @!p1 [tilespmem:s29+$0x40];
	_ =	sdelay $0x4  }
0x84: {  	v3 =	vand.u32 @!p1 $0xFFFF, v2;
	v2 =	vshra.s32 @!p1 v2, $0x10  }
0x85: {  	[tilespmem:$0x28A0] =	vst @!p1 v3;
	v2 =	vsub.s32 @!p1 v2, v0  }
0x86: {  	[tilespmem:$0x29A0] =	vst @!p1 v2  }
0x87: {  	v2 =	vld @!p1 [tilespmem:s29+$0x50];
	_ =	sdelay $0x4  }
0x88: {  	v3 =	vand.u32 @!p1 $0xFFFF, v2;
	v2 =	vshra.s32 @!p1 v2, $0x10  }
0x89: {  	[tilespmem:$0x28B0] =	vst @!p1 v3;
	v2 =	vsub.s32 @!p1 v2, v0  }
0x8a: {  	s1 =	simm.s32 @!p1 $0x40;
	s31 =	simm.s32 @!p1 $0x2880;
	s17 =	simm.s32 @!p1 $0x2A80;
	[tilespmem:$0x29B0] =	vst @!p1 v2  }
0x8b: {  	[tilespmem:s17], [sflag:$0x1] =	stream.indirect.gather @!p1 [hbm4b:s0+s1], $0x100, s31, s1, $0xb8;
	[tilespmem:$0x1EA80] =	vst v63  }
0x8c: {  	p1 =	sne.s32 s30, $0x2;
	_ =	swait.ge [sflag:s26], $0x4000  }
.Ltmp1:
0x8d: {  	[sflag:s26] =	ssyncset.done $0x0;
	(pc) =	sbr.rel @!p1 .LBB2_5-.Ltmp1, $4  }
0x8e: {  	[sflag:s26] =	ssyncadd.s32 $0xFFFFC000  }
0x8f: {  	[spmem:s2] =	stream.indirect.scatter.add.f32 [tilespmem:s22], [sflag:$0x3], $0x100, s28, s19, $0xb8;
	[tilespmem:$0x1EA80] =	vst v63  }
0x90: {  	_ =	swait.ge [sflag:s16], $0x4000  }
0x91: {  	s31 =	simm.s32 $0x2;
	[sflag:s16] =	ssyncset.done $0x0  }
.LBB2_4:
0x92: {  	s31 =	sadd.s32 $0x2, s31;
	[sflag:s16] =	ssyncadd.s32 $0xFFFFC000;
	s29 =	sadd.s32 $0x80, s29  }
0x93: {  	v2 =	vld [tilespmem:s29+$0xFFFFFFE0];
	p1 =	sne.s32 s30, s31;
	_ =	sdelay $0x4  }
0x94: {  	v3 =	vand.u32 $0xFFFF, v2;
	v2 =	vshra.s32 v2, $0x10  }
0x95: {  	[tilespmem:$0x2900] =	vst v3;
	v2 =	vsub.s32 v2, v0  }
0x96: {  	[tilespmem:$0x2A00] =	vst v2  }
0x97: {  	v2 =	vld [tilespmem:s29+$0xFFFFFFF0];
	_ =	sdelay $0x4  }
0x98: {  	v3 =	vand.u32 $0xFFFF, v2;
	v2 =	vshra.s32 v2, $0x10  }
0x99: {  	[tilespmem:$0x2910] =	vst v3;
	v2 =	vsub.s32 v2, v0  }
0x9a: {  	[tilespmem:$0x2A10] =	vst v2  }
0x9b: {  	v2 =	vld [tilespmem:s29+$0x0];
	_ =	sdelay $0x4  }
0x9c: {  	v3 =	vand.u32 $0xFFFF, v2;
	v2 =	vshra.s32 v2, $0x10  }
0x9d: {  	[tilespmem:$0x2920] =	vst v3;
	v2 =	vsub.s32 v2, v0  }
0x9e: {  	[tilespmem:$0x2A20] =	vst v2  }
0x9f: {  	v2 =	vld [tilespmem:s29+$0x10];
	_ =	sdelay $0x4  }
0xa0: {  	v3 =	vand.u32 $0xFFFF, v2;
	v2 =	vshra.s32 v2, $0x10  }
0xa1: {  	[tilespmem:$0x2930] =	vst v3;
	v2 =	vsub.s32 v2, v0  }
0xa2: {  	[tilespmem:$0x2A30] =	vst v2  }
0xa3: {  	[tilespmem:s22], [sflag:$0x2] =	stream.indirect.gather [hbm4b:s0+s19], $0x100, s21, s19, $0xb8;
	[tilespmem:$0x1EA80] =	vst v63  }
0xa4: {  	_ =	swait.ge [sflag:s18], $0x4000  }
0xa5: {  	[sflag:s18] =	ssyncset.done $0x0  }
0xa6: {  	[sflag:s18] =	ssyncadd.s32 $0xFFFFC000  }
0xa7: {  	[spmem:s2] =	stream.indirect.scatter.add.f32 [tilespmem:s15], [sflag:$0x3], $0x100, s24, s19, $0xb8;
	[tilespmem:$0x1EA80] =	vst v63  }
0xa8: {  	_ =	swait.ge [sflag:s16], $0x4000  }
0xa9: {  	[sflag:s16] =	ssyncset.done $0x0  }
0xaa: {  	p2 =	sge.u32 s31, s30;
	[sflag:s16] =	ssyncadd.s32 $0xFFFFC000  }
0xab: {  	v2 =	vld @!p2 [tilespmem:s29+$0x20];
	_ =	sdelay $0x4  }
0xac: {  	v3 =	vand.u32 @!p2 $0xFFFF, v2;
	v2 =	vshra.s32 @!p2 v2, $0x10  }
0xad: {  	[tilespmem:$0x2880] =	vst @!p2 v3;
	v2 =	vsub.s32 @!p2 v2, v0  }
0xae: {  	[tilespmem:$0x2980] =	vst @!p2 v2  }
0xaf: {  	v2 =	vld @!p2 [tilespmem:s29+$0x30];
	_ =	sdelay $0x4  }
0xb0: {  	v3 =	vand.u32 @!p2 $0xFFFF, v2;
	v2 =	vshra.s32 @!p2 v2, $0x10  }
0xb1: {  	[tilespmem:$0x2890] =	vst @!p2 v3;
	v2 =	vsub.s32 @!p2 v2, v0  }
0xb2: {  	[tilespmem:$0x2990] =	vst @!p2 v2  }
0xb3: {  	v2 =	vld @!p2 [tilespmem:s29+$0x40];
	_ =	sdelay $0x4  }
0xb4: {  	v3 =	vand.u32 @!p2 $0xFFFF, v2;
	v2 =	vshra.s32 @!p2 v2, $0x10  }
0xb5: {  	[tilespmem:$0x28A0] =	vst @!p2 v3;
	v2 =	vsub.s32 @!p2 v2, v0  }
0xb6: {  	[tilespmem:$0x29A0] =	vst @!p2 v2  }
0xb7: {  	v2 =	vld @!p2 [tilespmem:s29+$0x50];
	_ =	sdelay $0x4  }
0xb8: {  	v3 =	vand.u32 @!p2 $0xFFFF, v2;
	v2 =	vshra.s32 @!p2 v2, $0x10  }
0xb9: {  	[tilespmem:$0x28B0] =	vst @!p2 v3;
	v2 =	vsub.s32 @!p2 v2, v0  }
0xba: {  	s1 =	simm.s32 @!p2 $0x40;
	s17 =	simm.s32 @!p2 $0x2880;
	s20 =	simm.s32 @!p2 $0x2A80;
	[tilespmem:$0x29B0] =	vst @!p2 v2  }
0xbb: {  	[tilespmem:s20], [sflag:$0x1] =	stream.indirect.gather @!p2 [hbm4b:s0+s1], $0x100, s17, s1, $0xb8;
	[tilespmem:$0x1EA80] =	vst v63  }
0xbc: {  	_ =	swait.ge [sflag:s26], $0x4000  }
.Ltmp2:
0xbd: {  	[sflag:s26] =	ssyncset.done $0x0;
	(pc) =	sbr.rel @p1 .LBB2_4-.Ltmp2, $4  }
0xbe: {  	[sflag:s26] =	ssyncadd.s32 $0xFFFFC000  }
0xbf: {  	[spmem:s2] =	stream.indirect.scatter.add.f32 [tilespmem:s22], [sflag:$0x3], $0x100, s28, s19, $0xb8;
	[tilespmem:$0x1EA80] =	vst v63  }
0xc0: {  	_ =	swait.ge [sflag:s16], $0x4000  }
0xc1: {  	[sflag:s16] =	ssyncset.done $0x0  }
.LBB2_5:
0xc2: {  	[sflag:s16] =	ssyncadd.s32 $0xFFFFC000;
	s1 =	sshll.u32 s3, $0x6  }
0xc3: {  	[bflag:$0x0] =	sbarrier.arrive $0xFFFF;
	s1 =	sor.u32 $0x1C03, s1  }
0xc4: {  	[hbm:s8], [sflag:s1] =	dma.local [spmem:s23], $0x2700  }
0xc5: {  	_ =	swait.ge [sflag:s16], $0x2700  }
0xc6: {  	s4 =	sadd.s32 $0x1, s4;
	[sflag:s16] =	ssyncset.done $0x0  }
0xc7: {  	p1 =	sne.s32 s4, s10;
	[sflag:s16] =	ssyncadd.s32 $0xFFFFD900  }
0xc8: {  	[hbm:s9], [sflag:s1] =	dma.local @!p0 [spmem:s25], $0x100  }
.Ltmp3:
0xc9: {  	_ = 	snop;
	(pc) =	sbr.rel @p1 .LBB2_1-.Ltmp3, $4  }
0xca: {  	s1 =	simm.s32 @!p0 $0x3  }
0xcb: {  	_ =	swait.ge @!p0 [sflag:s1], $0x100  }
0xcc: {  	[sflag:s1] =	ssyncset.done @!p0 $0x0  }
0xcd: {  	[sflag:s1] =	ssyncadd.s32 @!p0 $0xFFFFFF00  }
0xce: {  	_ =	sfence.sel $0x180000  }
0xcf: {  	[bflag:$0x0] =	sbarrier.arrive $0xFFFF  }
0xd0: {  	_ =	strace $0x9000004A  }
0xd1: {  	[bflag:$0x2] =	sbarrier.arrive $0xFFFF  }
0xd2: {  	s0 =	rddreg [dreg:$0x3]  }
0xd3: {  	s0 =	sadd.s32 @!p0 $0x100000, s0  }
0xd4: {  	[sflag:s0] =	ssyncadd.tile.s32 @!p0 $0x1;
	_ =	shalt  }
.Lfunc_end2:
_tile_overlayer_lowered:
.L_overlay_start_2:
0xd5: {  	(tag) =	ssettag $0x2  }
0xd6: {  	s0 =	rddreg [dreg:$0x0];
	s2 =	stileid.u32  }
0xd7: {  	s1 =	rddreg [dreg:$0x1];
	p0 =	sne.s32 s2, $0x0  }
0xd8: {  	s3 =	rddreg [dreg:$0x2];
	[bflag:$0x3] =	sbarrier.arrive $0xFFFF;
	s2 =	simm.s32 @!p0 $0x1C03  }
0xd9: {  	[timem:s3], [sflag:s2] =	dma.local @!p0 [hbm:s0], s1  }
0xda: {  	s0 =	simm.s32 @!p0 $0x3  }
0xdb: {  	_ =	swait.ge @!p0 [sflag:s0], s1  }
0xdc: {  	s1 =	ssub.s32 @!p0 $0x0, s1;
	[sflag:s0] =	ssyncset.done @!p0 $0x0  }
0xdd: {  	[sflag:s0] =	ssyncadd.s32 @!p0 s1  }
0xde: {  	[bflag:$0x3] =	sbarrier.arrive $0xFFFF  }
0xdf: {  	_ =	shalt  }

</sc_bundles>
